<compile_context>
chip_gen: v7x
topology: tpu7x:2x2x1
jax: 0.10.2.dev20260603
libtpu: 0.0.44.dev20260713+nightly
codegen_flags: <defaults>
</compile_context>

<pallas_src>
import functools

import jax
import jax.numpy as jnp
from jax import lax
from jax.experimental import pallas as pl
from jax.experimental.pallas import tpu as pltpu
from jax.experimental.pallas import tpu_sc as plsc

N = 10000
E = 320000
D = 128
R = 474
B = 30

NC = 2
NS = 16
NW = NC * NS
EW = E // NW
C = 125
NCH = EW // C
PB = 32
RP = 512
NSL = N // NS
ZR = 125
NZ = NSL // ZR
DW = 16
ET = 256
GB = 5
NG = B // GB


def _sc_mesh():
    return plsc.VectorSubcoreMesh(
        core_axis_name="c", subcore_axis_name="s", num_cores=NC,
        num_subcores=NS)


def _gather_body(x_hbm, src3_hbm, xs_hbm, srcv, xbuf):
    c = lax.axis_index("c")
    s = lax.axis_index("s")
    w = c * NS + s
    pltpu.sync_copy(src3_hbm.at[w], srcv)
    base = w * NCH

    def chunk(ci, carry):
        pltpu.sync_copy(x_hbm.at[srcv.at[ci]], xbuf)
        pltpu.sync_copy(xbuf, xs_hbm.at[base + ci])
        return carry

    lax.fori_loop(0, NCH, chunk, 0)


def _sc_gather(x, src3):
    f = pl.kernel(
        _gather_body,
        out_type=jax.ShapeDtypeStruct((E // C, C, D), jnp.float32),
        mesh=_sc_mesh(),
        scratch_types=[
            pltpu.VMEM((NCH, C), jnp.int32),
            pltpu.VMEM((C, D), jnp.float32),
        ],
    )
    return f(x, src3)


def _contract_body(xs_ref, et_ref, bf_ref, cp_ref, out_ref):
    xs = xs_ref[...].astype(jnp.bfloat16)
    et = et_ref[0]
    rid = lax.broadcasted_iota(jnp.int32, (ET, RP), 1)
    oh = (et == rid).astype(jnp.float32)
    cf = jnp.dot(oh, cp_ref[...], preferred_element_type=jnp.float32)
    acc = jnp.zeros((ET, D), jnp.float32)
    for g in range(NG):
        hs = jnp.dot(xs, bf_ref[:, g * GB * D:(g + 1) * GB * D],
                     preferred_element_type=jnp.float32)
        for j in range(GB):
            b = g * GB + j
            acc = acc + cf[:, b][:, None] * hs[:, j * D:(j + 1) * D]
    out_ref[...] = acc


def _tc_contract(xs, et3c, bflat, comp_pad):
    return pl.pallas_call(
        _contract_body,
        grid=(E // ET,),
        in_specs=[
            pl.BlockSpec((ET, D), lambda i: (i, 0)),
            pl.BlockSpec((1, ET, 1), lambda i: (i, 0, 0)),
            pl.BlockSpec((D, B * D), lambda i: (0, 0)),
            pl.BlockSpec((RP, PB), lambda i: (0, 0)),
        ],
        out_specs=pl.BlockSpec((ET, D), lambda i: (i, 0)),
        out_shape=jax.ShapeDtypeStruct((E, D), jnp.float32),
    )(xs, et3c, bflat, comp_pad)


def _scatter_body(msg_hbm, dst3_hbm, zrow_hbm, ones_hbm,
                  aggs_hbm, degs_hbm, dstv, msgv, agg_sh):
    c = lax.axis_index("c")
    s = lax.axis_index("s")
    w = c * NS + s
    base = w * NCH
    pltpu.sync_copy(dst3_hbm.at[w], dstv)
    pltpu.sync_copy(zrow_hbm, msgv)
    for k in range(NZ):
        pltpu.sync_copy(msgv, agg_sh.at[pl.ds(s * NSL + k * ZR, ZR)])
    plsc.subcore_barrier()

    def chunk(ci, carry):
        pltpu.sync_copy(msg_hbm.at[base + ci], msgv)
        pltpu.sync_copy(msgv, agg_sh.at[dstv.at[ci]], add=True)
        return carry

    lax.fori_loop(0, NCH, chunk, 0)
    plsc.subcore_barrier()
    for k in range(NZ):
        pltpu.sync_copy(agg_sh.at[pl.ds(s * NSL + k * ZR, ZR)], msgv)
        pltpu.sync_copy(msgv, aggs_hbm.at[c, s, k])
    plsc.subcore_barrier()

    pltpu.sync_copy(zrow_hbm, msgv)
    for k in range(NZ):
        pltpu.sync_copy(msgv, agg_sh.at[pl.ds(s * NSL + k * ZR, ZR)])
    plsc.subcore_barrier()
    pltpu.sync_copy(ones_hbm, msgv)

    def dchunk(ci, carry):
        pltpu.sync_copy(msgv, agg_sh.at[dstv.at[ci]], add=True)
        return carry

    lax.fori_loop(0, NCH, dchunk, 0)
    plsc.subcore_barrier()
    for k in range(NZ):
        pltpu.sync_copy(agg_sh.at[pl.ds(s * NSL + k * ZR, ZR)], msgv)
        pltpu.sync_copy(msgv, degs_hbm.at[c, s, k])


def _sc_scatter(msg, dst3, zrow, ones1):
    f = pl.kernel(
        _scatter_body,
        out_type=(
            jax.ShapeDtypeStruct((NC, NS, NZ, ZR, D), jnp.float32),
            jax.ShapeDtypeStruct((NC, NS, NZ, ZR, D), jnp.float32),
        ),
        mesh=_sc_mesh(),
        scratch_types=[
            pltpu.VMEM((NCH, C), jnp.int32),
            pltpu.VMEM((C, D), jnp.float32),
            pltpu.VMEM_SHARED((N, D), jnp.float32),
        ],
    )
    return f(msg, dst3, zrow, ones1)


def _finish_body(x_ref, agg_ref, deg_ref, w_ref, out_ref):
    agg = agg_ref[0] + agg_ref[1]
    deg = deg_ref[0, :, 0:1] + deg_ref[1, :, 0:1]
    norm = 1.0 / jnp.maximum(deg, 1.0)
    self_loop = jnp.dot(x_ref[...], w_ref[...],
                        preferred_element_type=jnp.float32)
    out_ref[...] = jnp.maximum(agg * norm + self_loop, 0.0)


def _tc_finish(x, aggs, degs, w_self):
    NT = 2000
    return pl.pallas_call(
        _finish_body,
        grid=(N // NT,),
        in_specs=[
            pl.BlockSpec((NT, D), lambda i: (i, 0)),
            pl.BlockSpec((NC, NT, D), lambda i: (0, i, 0)),
            pl.BlockSpec((NC, NT, D), lambda i: (0, i, 0)),
            pl.BlockSpec((D, D), lambda i: (0, 0)),
        ],
        out_specs=pl.BlockSpec((NT, D), lambda i: (i, 0)),
        out_shape=jax.ShapeDtypeStruct((N, D), jnp.float32),
    )(x, aggs, degs, w_self)


@jax.jit
def kernel(x, edge_index, edge_type, bases, comp, w_self):
    src3 = edge_index[0].reshape(NW, NCH, C)
    dst3 = edge_index[1].reshape(NW, NCH, C)
    et3c = edge_type.reshape(E // ET, ET, 1)
    comp_pad = jnp.pad(comp, ((0, RP - R), (0, PB - B)))
    bflat = jnp.transpose(bases, (1, 0, 2)).reshape(D, B * D).astype(
        jnp.bfloat16)
    zrow = jnp.zeros((ZR, D), jnp.float32)
    ones1 = jnp.ones((C, D), jnp.float32)

    xs = _sc_gather(x, src3)
    msg = _tc_contract(xs.reshape(E, D), et3c, bflat, comp_pad)
    aggs, degs = _sc_scatter(msg.reshape(E // C, C, D), dst3, zrow, ones1)
    return _tc_finish(x, aggs.reshape(NC, N, D), degs.reshape(NC, N, D),
                      w_self)

# --- scband reference (transcript-rebuilt; emitter-appended) ---
"""Pipeline reference for scband-base-rgcn-43679817400673 (READ-ONLY COPY).

The authoritative reference and input builder live on the scoring server;
editing this copy changes nothing except your own understanding.
"""

import jax, jax.numpy as jnp
import numpy as np

N = 10000
E = 320000
D = 128
R = 474
B = 30

def setup_inputs(seed: int = 0) -> dict:
    key = jax.random.key(seed)
    ks = jax.random.split(key, 6)
    x = jax.random.normal(ks[0], (N, D), dtype=jnp.float32)
    edge_index = jax.random.randint(ks[1], (2, E), 0, N, dtype=jnp.int32)
    edge_type = jax.random.randint(ks[2], (E,), 0, R, dtype=jnp.int32)
    bases = jax.random.normal(ks[3], (B, D, D), dtype=jnp.float32) * 0.05
    comp = jax.random.normal(ks[4], (R, B), dtype=jnp.float32) * 0.1
    w_self = jax.random.normal(ks[5], (D, D), dtype=jnp.float32) * 0.05
    return {"x": x, "edge_index": edge_index, "edge_type": edge_type,
            "bases": bases, "comp": comp, "w_self": w_self}

def reference(x, edge_index, edge_type, bases, comp, w_self):
    # RGCN layer with basis decomposition (core message passing of BaseRGCN).
    # msg_e = (comp[edge_type[e]] . bases) @ x[src[e]] ; agg by dst; mean-normalize;
    # self-loop transform; relu.
    src = edge_index[0]
    dst = edge_index[1]
    x_src = jnp.take(x, src, axis=0)                 # gather [E, D]
    coef = jnp.take(comp, edge_type, axis=0)         # gather [E, B]
    agg = jnp.zeros((N, D), dtype=x.dtype)
    # linearity: sum_b (segment_sum(coef[:,b]*x_src by dst)) @ bases[b]
    for b in range(B):
        zb = jax.ops.segment_sum(x_src * coef[:, b:b + 1], dst, num_segments=N)
        agg = agg + zb @ bases[b]
    deg = jax.ops.segment_sum(jnp.ones((E,), dtype=x.dtype), dst, num_segments=N)
    norm = 1.0 / jnp.maximum(deg, 1.0)
    out = agg * norm[:, None] + x @ w_self
    return jax.nn.relu(out)

if __name__ == "__main__":
    import jax
    _d = setup_inputs()
    print(jax.jit(kernel)(*tuple(_d.values())))

</pallas_src>

<mosaic_0001>
#map = affine_map<(d0, d1) -> (0, 0, 0)>
#map1 = affine_map<(d0, d1) -> (0, 0)>
#map2 = affine_map<(d0, d1) -> (0, 0, 0, 0, 0)>
module attributes {stable_mosaic.version = 14 : i64} {
  func.func @_scatter_body(%arg0: i32, %arg1: i32, %arg2: memref<2560x125x128xf32, #tpu.memory_space<hbm>>, %arg3: memref<32x80x125xi32, #tpu.memory_space<hbm>>, %arg4: memref<125x128xf32, #tpu.memory_space<hbm>>, %arg5: memref<125x128xf32, #tpu.memory_space<hbm>>, %arg6: memref<2x16x5x125x128xf32, #tpu.memory_space<hbm>>, %arg7: memref<2x16x5x125x128xf32, #tpu.memory_space<hbm>>, %arg8: memref<80x125xi32, #tpu.memory_space<vmem>>, %arg9: memref<125x128xf32, #tpu.memory_space<vmem>>, %arg10: memref<10000x128xf32, #tpu.memory_space<vmem_shared>>) attributes {dimension_semantics = [#tpu.dimension_semantics<core_parallel>, #tpu.dimension_semantics<subcore_parallel>], iteration_bounds = array<i64: 2, 16>, scalar_prefetch = 0 : i64, scratch_operands = 3 : i64, tpu.core_type = #tpu.core_type<sc_vector_subcore>, window_params = [{transform_indices = #map}, {transform_indices = #map}, {transform_indices = #map1}, {transform_indices = #map1}, {transform_indices = #map2}, {transform_indices = #map2}]} {
    %mul3A = arith.constant 16 : i32
    %mul3A_0 = arith.muli %arg0, %mul3A : i32
    %add3A = arith.addi %mul3A_0, %arg1 : i32
    %mul3A_1 = arith.constant 80 : i32
    %mul3A_2 = arith.muli %add3A, %mul3A_1 : i32
    "tpu.region"() ({
      %run_scoped3A_107 = tpu.sem_alloc : memref<!tpu.dma_semaphore, #tpu.memory_space<semaphore_mem>>
      %dma_start3A = arith.constant 0 : i32
      %dma_start3A_108 = arith.constant 0 : i32
      %dma_start3A_109 = tpu.memref_slice %arg3[%add3A, %dma_start3A, %dma_start3A_108] : memref<32x80x125xi32, #tpu.memory_space<hbm>> -> memref<1x80x125xi32, #tpu.memory_space<hbm>>
      %dma_start3A_110 = tpu.memref_squeeze %dma_start3A_109 : memref<1x80x125xi32, #tpu.memory_space<hbm>> -> memref<80x125xi32, #tpu.memory_space<hbm>>
      %dma_start3A_111 = arith.constant 0 : i32
      %dma_start3A_112 = arith.constant 0 : i32
      %dma_start3A_113 = tpu.memref_slice %arg3[%add3A, %dma_start3A_111, %dma_start3A_112] : memref<32x80x125xi32, #tpu.memory_space<hbm>> -> memref<1x80x125xi32, #tpu.memory_space<hbm>>
      %dma_start3A_114 = tpu.memref_squeeze %dma_start3A_113 : memref<1x80x125xi32, #tpu.memory_space<hbm>> -> memref<80x125xi32, #tpu.memory_space<hbm>>
      tpu.enqueue_dma source(%dma_start3A_114 : memref<80x125xi32, #tpu.memory_space<hbm>>) target(%arg8 : memref<80x125xi32, #tpu.memory_space<vmem>>) target_semaphore(%run_scoped3A_107 : memref<!tpu.dma_semaphore, #tpu.memory_space<semaphore_mem>>)
      %dma_wait3A = arith.constant 0 : i32
      %dma_wait3A_115 = arith.constant 0 : i32
      %dma_wait3A_116 = tpu.memref_slice %arg3[%add3A, %dma_wait3A, %dma_wait3A_115] : memref<32x80x125xi32, #tpu.memory_space<hbm>> -> memref<1x80x125xi32, #tpu.memory_space<hbm>>
      %dma_wait3A_117 = tpu.memref_squeeze %dma_wait3A_116 : memref<1x80x125xi32, #tpu.memory_space<hbm>> -> memref<80x125xi32, #tpu.memory_space<hbm>>
      %dma_wait3A_118 = arith.constant 0 : i32
      %dma_wait3A_119 = arith.constant 0 : i32
      %dma_wait3A_120 = tpu.memref_slice %arg3[%add3A, %dma_wait3A_118, %dma_wait3A_119] : memref<32x80x125xi32, #tpu.memory_space<hbm>> -> memref<1x80x125xi32, #tpu.memory_space<hbm>>
      %dma_wait3A_121 = tpu.memref_squeeze %dma_wait3A_120 : memref<1x80x125xi32, #tpu.memory_space<hbm>> -> memref<80x125xi32, #tpu.memory_space<hbm>>
      tpu.wait_dma2 semaphore(%run_scoped3A_107 : memref<!tpu.dma_semaphore, #tpu.memory_space<semaphore_mem>>) src(%dma_wait3A_121 : memref<80x125xi32, #tpu.memory_space<hbm>>) dst(%arg8 : memref<80x125xi32, #tpu.memory_space<vmem>>)
      tpu.yield
    }) : () -> ()
    "tpu.region"() ({
      %run_scoped3A_107 = tpu.sem_alloc : memref<!tpu.dma_semaphore, #tpu.memory_space<semaphore_mem>>
      tpu.enqueue_dma source(%arg4 : memref<125x128xf32, #tpu.memory_space<hbm>>) target(%arg9 : memref<125x128xf32, #tpu.memory_space<vmem>>) target_semaphore(%run_scoped3A_107 : memref<!tpu.dma_semaphore, #tpu.memory_space<semaphore_mem>>)
      tpu.wait_dma2 semaphore(%run_scoped3A_107 : memref<!tpu.dma_semaphore, #tpu.memory_space<semaphore_mem>>) src(%arg4 : memref<125x128xf32, #tpu.memory_space<hbm>>) dst(%arg9 : memref<125x128xf32, #tpu.memory_space<vmem>>)
      tpu.yield
    }) : () -> ()
    %mul3A_3 = arith.constant 625 : i32
    %mul3A_4 = arith.muli %arg1, %mul3A_3 : i32
    %add3A_5 = arith.constant 0 : i32
    %add3A_6 = arith.addi %mul3A_4, %add3A_5 : i32
    "tpu.region"() ({
      %run_scoped3A_107 = tpu.sem_alloc : memref<!tpu.dma_semaphore, #tpu.memory_space<semaphore_mem>>
      %dma_start3A = arith.constant 0 : i32
      %dma_start3A_108 = tpu.memref_slice %arg10[%add3A_6, %dma_start3A] : memref<10000x128xf32, #tpu.memory_space<vmem_shared>> -> memref<125x128xf32, #tpu.memory_space<vmem_shared>>
      %dma_start3A_109 = arith.constant 0 : i32
      %dma_start3A_110 = tpu.memref_slice %arg10[%add3A_6, %dma_start3A_109] : memref<10000x128xf32, #tpu.memory_space<vmem_shared>> -> memref<125x128xf32, #tpu.memory_space<vmem_shared>>
      tpu.enqueue_dma source(%arg9 : memref<125x128xf32, #tpu.memory_space<vmem>>) target(%dma_start3A_110 : memref<125x128xf32, #tpu.memory_space<vmem_shared>>) target_semaphore(%run_scoped3A_107 : memref<!tpu.dma_semaphore, #tpu.memory_space<semaphore_mem>>)
      %dma_wait3A = arith.constant 0 : i32
      %dma_wait3A_111 = tpu.memref_slice %arg10[%add3A_6, %dma_wait3A] : memref<10000x128xf32, #tpu.memory_space<vmem_shared>> -> memref<125x128xf32, #tpu.memory_space<vmem_shared>>
      %dma_wait3A_112 = arith.constant 0 : i32
      %dma_wait3A_113 = tpu.memref_slice %arg10[%add3A_6, %dma_wait3A_112] : memref<10000x128xf32, #tpu.memory_space<vmem_shared>> -> memref<125x128xf32, #tpu.memory_space<vmem_shared>>
      tpu.wait_dma2 semaphore(%run_scoped3A_107 : memref<!tpu.dma_semaphore, #tpu.memory_space<semaphore_mem>>) src(%arg9 : memref<125x128xf32, #tpu.memory_space<vmem>>) dst(%dma_wait3A_113 : memref<125x128xf32, #tpu.memory_space<vmem_shared>>)
      tpu.yield
    }) : () -> ()
    %mul3A_7 = arith.constant 625 : i32
    %mul3A_8 = arith.muli %arg1, %mul3A_7 : i32
    %add3A_9 = arith.constant 125 : i32
    %add3A_10 = arith.addi %mul3A_8, %add3A_9 : i32
    "tpu.region"() ({
      %run_scoped3A_107 = tpu.sem_alloc : memref<!tpu.dma_semaphore, #tpu.memory_space<semaphore_mem>>
      %dma_start3A = arith.constant 0 : i32
      %dma_start3A_108 = tpu.memref_slice %arg10[%add3A_10, %dma_start3A] : memref<10000x128xf32, #tpu.memory_space<vmem_shared>> -> memref<125x128xf32, #tpu.memory_space<vmem_shared>>
      %dma_start3A_109 = arith.constant 0 : i32
      %dma_start3A_110 = tpu.memref_slice %arg10[%add3A_10, %dma_start3A_109] : memref<10000x128xf32, #tpu.memory_space<vmem_shared>> -> memref<125x128xf32, #tpu.memory_space<vmem_shared>>
      tpu.enqueue_dma source(%arg9 : memref<125x128xf32, #tpu.memory_space<vmem>>) target(%dma_start3A_110 : memref<125x128xf32, #tpu.memory_space<vmem_shared>>) target_semaphore(%run_scoped3A_107 : memref<!tpu.dma_semaphore, #tpu.memory_space<semaphore_mem>>)
      %dma_wait3A = arith.constant 0 : i32
      %dma_wait3A_111 = tpu.memref_slice %arg10[%add3A_10, %dma_wait3A] : memref<10000x128xf32, #tpu.memory_space<vmem_shared>> -> memref<125x128xf32, #tpu.memory_space<vmem_shared>>
      %dma_wait3A_112 = arith.constant 0 : i32
      %dma_wait3A_113 = tpu.memref_slice %arg10[%add3A_10, %dma_wait3A_112] : memref<10000x128xf32, #tpu.memory_space<vmem_shared>> -> memref<125x128xf32, #tpu.memory_space<vmem_shared>>
      tpu.wait_dma2 semaphore(%run_scoped3A_107 : memref<!tpu.dma_semaphore, #tpu.memory_space<semaphore_mem>>) src(%arg9 : memref<125x128xf32, #tpu.memory_space<vmem>>) dst(%dma_wait3A_113 : memref<125x128xf32, #tpu.memory_space<vmem_shared>>)
      tpu.yield
    }) : () -> ()
    %mul3A_11 = arith.constant 625 : i32
    %mul3A_12 = arith.muli %arg1, %mul3A_11 : i32
    %add3A_13 = arith.constant 250 : i32
    %add3A_14 = arith.addi %mul3A_12, %add3A_13 : i32
    "tpu.region"() ({
      %run_scoped3A_107 = tpu.sem_alloc : memref<!tpu.dma_semaphore, #tpu.memory_space<semaphore_mem>>
      %dma_start3A = arith.constant 0 : i32
      %dma_start3A_108 = tpu.memref_slice %arg10[%add3A_14, %dma_start3A] : memref<10000x128xf32, #tpu.memory_space<vmem_shared>> -> memref<125x128xf32, #tpu.memory_space<vmem_shared>>
      %dma_start3A_109 = arith.constant 0 : i32
      %dma_start3A_110 = tpu.memref_slice %arg10[%add3A_14, %dma_start3A_109] : memref<10000x128xf32, #tpu.memory_space<vmem_shared>> -> memref<125x128xf32, #tpu.memory_space<vmem_shared>>
      tpu.enqueue_dma source(%arg9 : memref<125x128xf32, #tpu.memory_space<vmem>>) target(%dma_start3A_110 : memref<125x128xf32, #tpu.memory_space<vmem_shared>>) target_semaphore(%run_scoped3A_107 : memref<!tpu.dma_semaphore, #tpu.memory_space<semaphore_mem>>)
      %dma_wait3A = arith.constant 0 : i32
      %dma_wait3A_111 = tpu.memref_slice %arg10[%add3A_14, %dma_wait3A] : memref<10000x128xf32, #tpu.memory_space<vmem_shared>> -> memref<125x128xf32, #tpu.memory_space<vmem_shared>>
      %dma_wait3A_112 = arith.constant 0 : i32
      %dma_wait3A_113 = tpu.memref_slice %arg10[%add3A_14, %dma_wait3A_112] : memref<10000x128xf32, #tpu.memory_space<vmem_shared>> -> memref<125x128xf32, #tpu.memory_space<vmem_shared>>
      tpu.wait_dma2 semaphore(%run_scoped3A_107 : memref<!tpu.dma_semaphore, #tpu.memory_space<semaphore_mem>>) src(%arg9 : memref<125x128xf32, #tpu.memory_space<vmem>>) dst(%dma_wait3A_113 : memref<125x128xf32, #tpu.memory_space<vmem_shared>>)
      tpu.yield
    }) : () -> ()
    %mul3A_15 = arith.constant 625 : i32
    %mul3A_16 = arith.muli %arg1, %mul3A_15 : i32
    %add3A_17 = arith.constant 375 : i32
    %add3A_18 = arith.addi %mul3A_16, %add3A_17 : i32
    "tpu.region"() ({
      %run_scoped3A_107 = tpu.sem_alloc : memref<!tpu.dma_semaphore, #tpu.memory_space<semaphore_mem>>
      %dma_start3A = arith.constant 0 : i32
      %dma_start3A_108 = tpu.memref_slice %arg10[%add3A_18, %dma_start3A] : memref<10000x128xf32, #tpu.memory_space<vmem_shared>> -> memref<125x128xf32, #tpu.memory_space<vmem_shared>>
      %dma_start3A_109 = arith.constant 0 : i32
      %dma_start3A_110 = tpu.memref_slice %arg10[%add3A_18, %dma_start3A_109] : memref<10000x128xf32, #tpu.memory_space<vmem_shared>> -> memref<125x128xf32, #tpu.memory_space<vmem_shared>>
      tpu.enqueue_dma source(%arg9 : memref<125x128xf32, #tpu.memory_space<vmem>>) target(%dma_start3A_110 : memref<125x128xf32, #tpu.memory_space<vmem_shared>>) target_semaphore(%run_scoped3A_107 : memref<!tpu.dma_semaphore, #tpu.memory_space<semaphore_mem>>)
      %dma_wait3A = arith.constant 0 : i32
      %dma_wait3A_111 = tpu.memref_slice %arg10[%add3A_18, %dma_wait3A] : memref<10000x128xf32, #tpu.memory_space<vmem_shared>> -> memref<125x128xf32, #tpu.memory_space<vmem_shared>>
      %dma_wait3A_112 = arith.constant 0 : i32
      %dma_wait3A_113 = tpu.memref_slice %arg10[%add3A_18, %dma_wait3A_112] : memref<10000x128xf32, #tpu.memory_space<vmem_shared>> -> memref<125x128xf32, #tpu.memory_space<vmem_shared>>
      tpu.wait_dma2 semaphore(%run_scoped3A_107 : memref<!tpu.dma_semaphore, #tpu.memory_space<semaphore_mem>>) src(%arg9 : memref<125x128xf32, #tpu.memory_space<vmem>>) dst(%dma_wait3A_113 : memref<125x128xf32, #tpu.memory_space<vmem_shared>>)
      tpu.yield
    }) : () -> ()
    %mul3A_19 = arith.constant 625 : i32
    %mul3A_20 = arith.muli %arg1, %mul3A_19 : i32
    %add3A_21 = arith.constant 500 : i32
    %add3A_22 = arith.addi %mul3A_20, %add3A_21 : i32
    "tpu.region"() ({
      %run_scoped3A_107 = tpu.sem_alloc : memref<!tpu.dma_semaphore, #tpu.memory_space<semaphore_mem>>
      %dma_start3A = arith.constant 0 : i32
      %dma_start3A_108 = tpu.memref_slice %arg10[%add3A_22, %dma_start3A] : memref<10000x128xf32, #tpu.memory_space<vmem_shared>> -> memref<125x128xf32, #tpu.memory_space<vmem_shared>>
      %dma_start3A_109 = arith.constant 0 : i32
      %dma_start3A_110 = tpu.memref_slice %arg10[%add3A_22, %dma_start3A_109] : memref<10000x128xf32, #tpu.memory_space<vmem_shared>> -> memref<125x128xf32, #tpu.memory_space<vmem_shared>>
      tpu.enqueue_dma source(%arg9 : memref<125x128xf32, #tpu.memory_space<vmem>>) target(%dma_start3A_110 : memref<125x128xf32, #tpu.memory_space<vmem_shared>>) target_semaphore(%run_scoped3A_107 : memref<!tpu.dma_semaphore, #tpu.memory_space<semaphore_mem>>)
      %dma_wait3A = arith.constant 0 : i32
      %dma_wait3A_111 = tpu.memref_slice %arg10[%add3A_22, %dma_wait3A] : memref<10000x128xf32, #tpu.memory_space<vmem_shared>> -> memref<125x128xf32, #tpu.memory_space<vmem_shared>>
      %dma_wait3A_112 = arith.constant 0 : i32
      %dma_wait3A_113 = tpu.memref_slice %arg10[%add3A_22, %dma_wait3A_112] : memref<10000x128xf32, #tpu.memory_space<vmem_shared>> -> memref<125x128xf32, #tpu.memory_space<vmem_shared>>
      tpu.wait_dma2 semaphore(%run_scoped3A_107 : memref<!tpu.dma_semaphore, #tpu.memory_space<semaphore_mem>>) src(%arg9 : memref<125x128xf32, #tpu.memory_space<vmem>>) dst(%dma_wait3A_113 : memref<125x128xf32, #tpu.memory_space<vmem_shared>>)
      tpu.yield
    }) : () -> ()
    %barrier3A = arith.constant 0 : index
    tpu.barrier barrier_id(%barrier3A)
    %scan3A = arith.constant 0 : i32
    %scan3A_23 = arith.constant 0 : i32
    %scan3A_24 = arith.constant 80 : i32
    %scan3A_25 = arith.addi %scan3A_23, %scan3A_24 : i32
    %scan3A_26 = arith.constant 1 : i32
    scf.for %scan3A_107 = %scan3A_23 to %scan3A_25 step %scan3A_26  : i32 {
      %add3A_108 = arith.addi %mul3A_2, %scan3A_107 : i32
      "tpu.region"() ({
        %run_scoped3A_109 = tpu.sem_alloc : memref<!tpu.dma_semaphore, #tpu.memory_space<semaphore_mem>>
        %dma_start3A = arith.constant 0 : i32
        %dma_start3A_110 = arith.constant 0 : i32
        %dma_start3A_111 = tpu.memref_slice %arg2[%add3A_108, %dma_start3A, %dma_start3A_110] : memref<2560x125x128xf32, #tpu.memory_space<hbm>> -> memref<1x125x128xf32, #tpu.memory_space<hbm>>
        %dma_start3A_112 = tpu.memref_squeeze %dma_start3A_111 : memref<1x125x128xf32, #tpu.memory_space<hbm>> -> memref<125x128xf32, #tpu.memory_space<hbm>>
        %dma_start3A_113 = arith.constant 0 : i32
        %dma_start3A_114 = arith.constant 0 : i32
        %dma_start3A_115 = tpu.memref_slice %arg2[%add3A_108, %dma_start3A_113, %dma_start3A_114] : memref<2560x125x128xf32, #tpu.memory_space<hbm>> -> memref<1x125x128xf32, #tpu.memory_space<hbm>>
        %dma_start3A_116 = tpu.memref_squeeze %dma_start3A_115 : memref<1x125x128xf32, #tpu.memory_space<hbm>> -> memref<125x128xf32, #tpu.memory_space<hbm>>
        tpu.enqueue_dma source(%dma_start3A_116 : memref<125x128xf32, #tpu.memory_space<hbm>>) target(%arg9 : memref<125x128xf32, #tpu.memory_space<vmem>>) target_semaphore(%run_scoped3A_109 : memref<!tpu.dma_semaphore, #tpu.memory_space<semaphore_mem>>)
        %dma_wait3A = arith.constant 0 : i32
        %dma_wait3A_117 = arith.constant 0 : i32
        %dma_wait3A_118 = tpu.memref_slice %arg2[%add3A_108, %dma_wait3A, %dma_wait3A_117] : memref<2560x125x128xf32, #tpu.memory_space<hbm>> -> memref<1x125x128xf32, #tpu.memory_space<hbm>>
        %dma_wait3A_119 = tpu.memref_squeeze %dma_wait3A_118 : memref<1x125x128xf32, #tpu.memory_space<hbm>> -> memref<125x128xf32, #tpu.memory_space<hbm>>
        %dma_wait3A_120 = arith.constant 0 : i32
        %dma_wait3A_121 = arith.constant 0 : i32
        %dma_wait3A_122 = tpu.memref_slice %arg2[%add3A_108, %dma_wait3A_120, %dma_wait3A_121] : memref<2560x125x128xf32, #tpu.memory_space<hbm>> -> memref<1x125x128xf32, #tpu.memory_space<hbm>>
        %dma_wait3A_123 = tpu.memref_squeeze %dma_wait3A_122 : memref<1x125x128xf32, #tpu.memory_space<hbm>> -> memref<125x128xf32, #tpu.memory_space<hbm>>
        tpu.wait_dma2 semaphore(%run_scoped3A_109 : memref<!tpu.dma_semaphore, #tpu.memory_space<semaphore_mem>>) src(%dma_wait3A_123 : memref<125x128xf32, #tpu.memory_space<hbm>>) dst(%arg9 : memref<125x128xf32, #tpu.memory_space<vmem>>)
        tpu.yield
      }) : () -> ()
      "tpu.region"() ({
        %run_scoped3A_109 = tpu.sem_alloc : memref<!tpu.dma_semaphore, #tpu.memory_space<semaphore_mem>>
        %dma_start3A = arith.constant 0 : i32
        %dma_start3A_110 = tpu.memref_slice %arg8[%scan3A_107, %dma_start3A] : memref<80x125xi32, #tpu.memory_space<vmem>> -> memref<1x125xi32, #tpu.memory_space<vmem>>
        %dma_start3A_111 = tpu.memref_squeeze %dma_start3A_110 : memref<1x125xi32, #tpu.memory_space<vmem>> -> memref<125xi32, #tpu.memory_space<vmem>>
        %dma_start3A_112 = arith.constant 0 : i32
        %dma_start3A_113 = arith.constant 0 : i32
        %dma_start3A_114 = tpu.memref_slice %arg10[%dma_start3A_112, %dma_start3A_113] : memref<10000x128xf32, #tpu.memory_space<vmem_shared>> -> memref<10000x128xf32, #tpu.memory_space<vmem_shared>>
        tpu.enqueue_indirect_dma source(%arg9 : memref<125x128xf32, #tpu.memory_space<vmem>>) target(%dma_start3A_114 : memref<10000x128xf32, #tpu.memory_space<vmem_shared>>) offsets(%dma_start3A_111 : memref<125xi32, #tpu.memory_space<vmem>>) semaphore(%run_scoped3A_109 : memref<!tpu.dma_semaphore, #tpu.memory_space<semaphore_mem>>) {add = true}
        %dma_wait3A = arith.constant 0 : i32
        %dma_wait3A_115 = tpu.memref_slice %arg8[%scan3A_107, %dma_wait3A] : memref<80x125xi32, #tpu.memory_space<vmem>> -> memref<1x125xi32, #tpu.memory_space<vmem>>
        %dma_wait3A_116 = tpu.memref_squeeze %dma_wait3A_115 : memref<1x125xi32, #tpu.memory_space<vmem>> -> memref<125xi32, #tpu.memory_space<vmem>>
        %dma_wait3A_117 = arith.constant 0 : i32
        %dma_wait3A_118 = arith.constant 0 : i32
        %dma_wait3A_119 = tpu.memref_slice %arg10[%dma_wait3A_117, %dma_wait3A_118] : memref<10000x128xf32, #tpu.memory_space<vmem_shared>> -> memref<10000x128xf32, #tpu.memory_space<vmem_shared>>
        tpu.wait_indirect_dma semaphore(%run_scoped3A_109 : memref<!tpu.dma_semaphore, #tpu.memory_space<semaphore_mem>>) src(%arg9 : memref<125x128xf32, #tpu.memory_space<vmem>>) dst(%dma_wait3A_119 : memref<10000x128xf32, #tpu.memory_space<vmem_shared>>)
        tpu.yield
      }) : () -> ()
    }
    %scan3A_27 = arith.constant 80 : i32
    %barrier3A_28 = arith.constant 0 : index
    tpu.barrier barrier_id(%barrier3A_28)
    %mul3A_29 = arith.constant 625 : i32
    %mul3A_30 = arith.muli %arg1, %mul3A_29 : i32
    %add3A_31 = arith.constant 0 : i32
    %add3A_32 = arith.addi %mul3A_30, %add3A_31 : i32
    "tpu.region"() ({
      %run_scoped3A_107 = tpu.sem_alloc : memref<!tpu.dma_semaphore, #tpu.memory_space<semaphore_mem>>
      %dma_start3A = arith.constant 0 : i32
      %dma_start3A_108 = tpu.memref_slice %arg10[%add3A_32, %dma_start3A] : memref<10000x128xf32, #tpu.memory_space<vmem_shared>> -> memref<125x128xf32, #tpu.memory_space<vmem_shared>>
      %dma_start3A_109 = arith.constant 0 : i32
      %dma_start3A_110 = tpu.memref_slice %arg10[%add3A_32, %dma_start3A_109] : memref<10000x128xf32, #tpu.memory_space<vmem_shared>> -> memref<125x128xf32, #tpu.memory_space<vmem_shared>>
      tpu.enqueue_dma source(%dma_start3A_110 : memref<125x128xf32, #tpu.memory_space<vmem_shared>>) target(%arg9 : memref<125x128xf32, #tpu.memory_space<vmem>>) target_semaphore(%run_scoped3A_107 : memref<!tpu.dma_semaphore, #tpu.memory_space<semaphore_mem>>)
      %dma_wait3A = arith.constant 0 : i32
      %dma_wait3A_111 = tpu.memref_slice %arg10[%add3A_32, %dma_wait3A] : memref<10000x128xf32, #tpu.memory_space<vmem_shared>> -> memref<125x128xf32, #tpu.memory_space<vmem_shared>>
      %dma_wait3A_112 = arith.constant 0 : i32
      %dma_wait3A_113 = tpu.memref_slice %arg10[%add3A_32, %dma_wait3A_112] : memref<10000x128xf32, #tpu.memory_space<vmem_shared>> -> memref<125x128xf32, #tpu.memory_space<vmem_shared>>
      tpu.wait_dma2 semaphore(%run_scoped3A_107 : memref<!tpu.dma_semaphore, #tpu.memory_space<semaphore_mem>>) src(%dma_wait3A_113 : memref<125x128xf32, #tpu.memory_space<vmem_shared>>) dst(%arg9 : memref<125x128xf32, #tpu.memory_space<vmem>>)
      tpu.yield
    }) : () -> ()
    %run_scoped3A = arith.constant 0 : i32
    "tpu.region"() ({
      %run_scoped3A_107 = tpu.sem_alloc : memref<!tpu.dma_semaphore, #tpu.memory_space<semaphore_mem>>
      %dma_start3A = arith.constant 0 : i32
      %dma_start3A_108 = arith.constant 0 : i32
      %dma_start3A_109 = tpu.memref_slice %arg6[%arg0, %arg1, %run_scoped3A, %dma_start3A, %dma_start3A_108] : memref<2x16x5x125x128xf32, #tpu.memory_space<hbm>> -> memref<1x1x1x125x128xf32, #tpu.memory_space<hbm>>
      %dma_start3A_110 = tpu.memref_squeeze %dma_start3A_109 : memref<1x1x1x125x128xf32, #tpu.memory_space<hbm>> -> memref<125x128xf32, #tpu.memory_space<hbm>>
      %dma_start3A_111 = arith.constant 0 : i32
      %dma_start3A_112 = arith.constant 0 : i32
      %dma_start3A_113 = tpu.memref_slice %arg6[%arg0, %arg1, %run_scoped3A, %dma_start3A_111, %dma_start3A_112] : memref<2x16x5x125x128xf32, #tpu.memory_space<hbm>> -> memref<1x1x1x125x128xf32, #tpu.memory_space<hbm>>
      %dma_start3A_114 = tpu.memref_squeeze %dma_start3A_113 : memref<1x1x1x125x128xf32, #tpu.memory_space<hbm>> -> memref<125x128xf32, #tpu.memory_space<hbm>>
      tpu.enqueue_dma source(%arg9 : memref<125x128xf32, #tpu.memory_space<vmem>>) target(%dma_start3A_114 : memref<125x128xf32, #tpu.memory_space<hbm>>) target_semaphore(%run_scoped3A_107 : memref<!tpu.dma_semaphore, #tpu.memory_space<semaphore_mem>>)
      %dma_wait3A = arith.constant 0 : i32
      %dma_wait3A_115 = arith.constant 0 : i32
      %dma_wait3A_116 = tpu.memref_slice %arg6[%arg0, %arg1, %run_scoped3A, %dma_wait3A, %dma_wait3A_115] : memref<2x16x5x125x128xf32, #tpu.memory_space<hbm>> -> memref<1x1x1x125x128xf32, #tpu.memory_space<hbm>>
      %dma_wait3A_117 = tpu.memref_squeeze %dma_wait3A_116 : memref<1x1x1x125x128xf32, #tpu.memory_space<hbm>> -> memref<125x128xf32, #tpu.memory_space<hbm>>
      %dma_wait3A_118 = arith.constant 0 : i32
      %dma_wait3A_119 = arith.constant 0 : i32
      %dma_wait3A_120 = tpu.memref_slice %arg6[%arg0, %arg1, %run_scoped3A, %dma_wait3A_118, %dma_wait3A_119] : memref<2x16x5x125x128xf32, #tpu.memory_space<hbm>> -> memref<1x1x1x125x128xf32, #tpu.memory_space<hbm>>
      %dma_wait3A_121 = tpu.memref_squeeze %dma_wait3A_120 : memref<1x1x1x125x128xf32, #tpu.memory_space<hbm>> -> memref<125x128xf32, #tpu.memory_space<hbm>>
      tpu.wait_dma2 semaphore(%run_scoped3A_107 : memref<!tpu.dma_semaphore, #tpu.memory_space<semaphore_mem>>) src(%arg9 : memref<125x128xf32, #tpu.memory_space<vmem>>) dst(%dma_wait3A_121 : memref<125x128xf32, #tpu.memory_space<hbm>>)
      tpu.yield
    }) : () -> ()
    %mul3A_33 = arith.constant 625 : i32
    %mul3A_34 = arith.muli %arg1, %mul3A_33 : i32
    %add3A_35 = arith.constant 125 : i32
    %add3A_36 = arith.addi %mul3A_34, %add3A_35 : i32
    "tpu.region"() ({
      %run_scoped3A_107 = tpu.sem_alloc : memref<!tpu.dma_semaphore, #tpu.memory_space<semaphore_mem>>
      %dma_start3A = arith.constant 0 : i32
      %dma_start3A_108 = tpu.memref_slice %arg10[%add3A_36, %dma_start3A] : memref<10000x128xf32, #tpu.memory_space<vmem_shared>> -> memref<125x128xf32, #tpu.memory_space<vmem_shared>>
      %dma_start3A_109 = arith.constant 0 : i32
      %dma_start3A_110 = tpu.memref_slice %arg10[%add3A_36, %dma_start3A_109] : memref<10000x128xf32, #tpu.memory_space<vmem_shared>> -> memref<125x128xf32, #tpu.memory_space<vmem_shared>>
      tpu.enqueue_dma source(%dma_start3A_110 : memref<125x128xf32, #tpu.memory_space<vmem_shared>>) target(%arg9 : memref<125x128xf32, #tpu.memory_space<vmem>>) target_semaphore(%run_scoped3A_107 : memref<!tpu.dma_semaphore, #tpu.memory_space<semaphore_mem>>)
      %dma_wait3A = arith.constant 0 : i32
      %dma_wait3A_111 = tpu.memref_slice %arg10[%add3A_36, %dma_wait3A] : memref<10000x128xf32, #tpu.memory_space<vmem_shared>> -> memref<125x128xf32, #tpu.memory_space<vmem_shared>>
      %dma_wait3A_112 = arith.constant 0 : i32
      %dma_wait3A_113 = tpu.memref_slice %arg10[%add3A_36, %dma_wait3A_112] : memref<10000x128xf32, #tpu.memory_space<vmem_shared>> -> memref<125x128xf32, #tpu.memory_space<vmem_shared>>
      tpu.wait_dma2 semaphore(%run_scoped3A_107 : memref<!tpu.dma_semaphore, #tpu.memory_space<semaphore_mem>>) src(%dma_wait3A_113 : memref<125x128xf32, #tpu.memory_space<vmem_shared>>) dst(%arg9 : memref<125x128xf32, #tpu.memory_space<vmem>>)
      tpu.yield
    }) : () -> ()
    %run_scoped3A_37 = arith.constant 1 : i32
    "tpu.region"() ({
      %run_scoped3A_107 = tpu.sem_alloc : memref<!tpu.dma_semaphore, #tpu.memory_space<semaphore_mem>>
      %dma_start3A = arith.constant 0 : i32
      %dma_start3A_108 = arith.constant 0 : i32
      %dma_start3A_109 = tpu.memref_slice %arg6[%arg0, %arg1, %run_scoped3A_37, %dma_start3A, %dma_start3A_108] : memref<2x16x5x125x128xf32, #tpu.memory_space<hbm>> -> memref<1x1x1x125x128xf32, #tpu.memory_space<hbm>>
      %dma_start3A_110 = tpu.memref_squeeze %dma_start3A_109 : memref<1x1x1x125x128xf32, #tpu.memory_space<hbm>> -> memref<125x128xf32, #tpu.memory_space<hbm>>
      %dma_start3A_111 = arith.constant 0 : i32
      %dma_start3A_112 = arith.constant 0 : i32
      %dma_start3A_113 = tpu.memref_slice %arg6[%arg0, %arg1, %run_scoped3A_37, %dma_start3A_111, %dma_start3A_112] : memref<2x16x5x125x128xf32, #tpu.memory_space<hbm>> -> memref<1x1x1x125x128xf32, #tpu.memory_space<hbm>>
      %dma_start3A_114 = tpu.memref_squeeze %dma_start3A_113 : memref<1x1x1x125x128xf32, #tpu.memory_space<hbm>> -> memref<125x128xf32, #tpu.memory_space<hbm>>
      tpu.enqueue_dma source(%arg9 : memref<125x128xf32, #tpu.memory_space<vmem>>) target(%dma_start3A_114 : memref<125x128xf32, #tpu.memory_space<hbm>>) target_semaphore(%run_scoped3A_107 : memref<!tpu.dma_semaphore, #tpu.memory_space<semaphore_mem>>)
      %dma_wait3A = arith.constant 0 : i32
      %dma_wait3A_115 = arith.constant 0 : i32
      %dma_wait3A_116 = tpu.memref_slice %arg6[%arg0, %arg1, %run_scoped3A_37, %dma_wait3A, %dma_wait3A_115] : memref<2x16x5x125x128xf32, #tpu.memory_space<hbm>> -> memref<1x1x1x125x128xf32, #tpu.memory_space<hbm>>
      %dma_wait3A_117 = tpu.memref_squeeze %dma_wait3A_116 : memref<1x1x1x125x128xf32, #tpu.memory_space<hbm>> -> memref<125x128xf32, #tpu.memory_space<hbm>>
      %dma_wait3A_118 = arith.constant 0 : i32
      %dma_wait3A_119 = arith.constant 0 : i32
      %dma_wait3A_120 = tpu.memref_slice %arg6[%arg0, %arg1, %run_scoped3A_37, %dma_wait3A_118, %dma_wait3A_119] : memref<2x16x5x125x128xf32, #tpu.memory_space<hbm>> -> memref<1x1x1x125x128xf32, #tpu.memory_space<hbm>>
      %dma_wait3A_121 = tpu.memref_squeeze %dma_wait3A_120 : memref<1x1x1x125x128xf32, #tpu.memory_space<hbm>> -> memref<125x128xf32, #tpu.memory_space<hbm>>
      tpu.wait_dma2 semaphore(%run_scoped3A_107 : memref<!tpu.dma_semaphore, #tpu.memory_space<semaphore_mem>>) src(%arg9 : memref<125x128xf32, #tpu.memory_space<vmem>>) dst(%dma_wait3A_121 : memref<125x128xf32, #tpu.memory_space<hbm>>)
      tpu.yield
    }) : () -> ()
    %mul3A_38 = arith.constant 625 : i32
    %mul3A_39 = arith.muli %arg1, %mul3A_38 : i32
    %add3A_40 = arith.constant 250 : i32
    %add3A_41 = arith.addi %mul3A_39, %add3A_40 : i32
    "tpu.region"() ({
      %run_scoped3A_107 = tpu.sem_alloc : memref<!tpu.dma_semaphore, #tpu.memory_space<semaphore_mem>>
      %dma_start3A = arith.constant 0 : i32
      %dma_start3A_108 = tpu.memref_slice %arg10[%add3A_41, %dma_start3A] : memref<10000x128xf32, #tpu.memory_space<vmem_shared>> -> memref<125x128xf32, #tpu.memory_space<vmem_shared>>
      %dma_start3A_109 = arith.constant 0 : i32
      %dma_start3A_110 = tpu.memref_slice %arg10[%add3A_41, %dma_start3A_109] : memref<10000x128xf32, #tpu.memory_space<vmem_shared>> -> memref<125x128xf32, #tpu.memory_space<vmem_shared>>
      tpu.enqueue_dma source(%dma_start3A_110 : memref<125x128xf32, #tpu.memory_space<vmem_shared>>) target(%arg9 : memref<125x128xf32, #tpu.memory_space<vmem>>) target_semaphore(%run_scoped3A_107 : memref<!tpu.dma_semaphore, #tpu.memory_space<semaphore_mem>>)
      %dma_wait3A = arith.constant 0 : i32
      %dma_wait3A_111 = tpu.memref_slice %arg10[%add3A_41, %dma_wait3A] : memref<10000x128xf32, #tpu.memory_space<vmem_shared>> -> memref<125x128xf32, #tpu.memory_space<vmem_shared>>
      %dma_wait3A_112 = arith.constant 0 : i32
      %dma_wait3A_113 = tpu.memref_slice %arg10[%add3A_41, %dma_wait3A_112] : memref<10000x128xf32, #tpu.memory_space<vmem_shared>> -> memref<125x128xf32, #tpu.memory_space<vmem_shared>>
      tpu.wait_dma2 semaphore(%run_scoped3A_107 : memref<!tpu.dma_semaphore, #tpu.memory_space<semaphore_mem>>) src(%dma_wait3A_113 : memref<125x128xf32, #tpu.memory_space<vmem_shared>>) dst(%arg9 : memref<125x128xf32, #tpu.memory_space<vmem>>)
      tpu.yield
    }) : () -> ()
    %run_scoped3A_42 = arith.constant 2 : i32
    "tpu.region"() ({
      %run_scoped3A_107 = tpu.sem_alloc : memref<!tpu.dma_semaphore, #tpu.memory_space<semaphore_mem>>
      %dma_start3A = arith.constant 0 : i32
      %dma_start3A_108 = arith.constant 0 : i32
      %dma_start3A_109 = tpu.memref_slice %arg6[%arg0, %arg1, %run_scoped3A_42, %dma_start3A, %dma_start3A_108] : memref<2x16x5x125x128xf32, #tpu.memory_space<hbm>> -> memref<1x1x1x125x128xf32, #tpu.memory_space<hbm>>
      %dma_start3A_110 = tpu.memref_squeeze %dma_start3A_109 : memref<1x1x1x125x128xf32, #tpu.memory_space<hbm>> -> memref<125x128xf32, #tpu.memory_space<hbm>>
      %dma_start3A_111 = arith.constant 0 : i32
      %dma_start3A_112 = arith.constant 0 : i32
      %dma_start3A_113 = tpu.memref_slice %arg6[%arg0, %arg1, %run_scoped3A_42, %dma_start3A_111, %dma_start3A_112] : memref<2x16x5x125x128xf32, #tpu.memory_space<hbm>> -> memref<1x1x1x125x128xf32, #tpu.memory_space<hbm>>
      %dma_start3A_114 = tpu.memref_squeeze %dma_start3A_113 : memref<1x1x1x125x128xf32, #tpu.memory_space<hbm>> -> memref<125x128xf32, #tpu.memory_space<hbm>>
      tpu.enqueue_dma source(%arg9 : memref<125x128xf32, #tpu.memory_space<vmem>>) target(%dma_start3A_114 : memref<125x128xf32, #tpu.memory_space<hbm>>) target_semaphore(%run_scoped3A_107 : memref<!tpu.dma_semaphore, #tpu.memory_space<semaphore_mem>>)
      %dma_wait3A = arith.constant 0 : i32
      %dma_wait3A_115 = arith.constant 0 : i32
      %dma_wait3A_116 = tpu.memref_slice %arg6[%arg0, %arg1, %run_scoped3A_42, %dma_wait3A, %dma_wait3A_115] : memref<2x16x5x125x128xf32, #tpu.memory_space<hbm>> -> memref<1x1x1x125x128xf32, #tpu.memory_space<hbm>>
      %dma_wait3A_117 = tpu.memref_squeeze %dma_wait3A_116 : memref<1x1x1x125x128xf32, #tpu.memory_space<hbm>> -> memref<125x128xf32, #tpu.memory_space<hbm>>
      %dma_wait3A_118 = arith.constant 0 : i32
      %dma_wait3A_119 = arith.constant 0 : i32
      %dma_wait3A_120 = tpu.memref_slice %arg6[%arg0, %arg1, %run_scoped3A_42, %dma_wait3A_118, %dma_wait3A_119] : memref<2x16x5x125x128xf32, #tpu.memory_space<hbm>> -> memref<1x1x1x125x128xf32, #tpu.memory_space<hbm>>
      %dma_wait3A_121 = tpu.memref_squeeze %dma_wait3A_120 : memref<1x1x1x125x128xf32, #tpu.memory_space<hbm>> -> memref<125x128xf32, #tpu.memory_space<hbm>>
      tpu.wait_dma2 semaphore(%run_scoped3A_107 : memref<!tpu.dma_semaphore, #tpu.memory_space<semaphore_mem>>) src(%arg9 : memref<125x128xf32, #tpu.memory_space<vmem>>) dst(%dma_wait3A_121 : memref<125x128xf32, #tpu.memory_space<hbm>>)
      tpu.yield
    }) : () -> ()
    %mul3A_43 = arith.constant 625 : i32
    %mul3A_44 = arith.muli %arg1, %mul3A_43 : i32
    %add3A_45 = arith.constant 375 : i32
    %add3A_46 = arith.addi %mul3A_44, %add3A_45 : i32
    "tpu.region"() ({
      %run_scoped3A_107 = tpu.sem_alloc : memref<!tpu.dma_semaphore, #tpu.memory_space<semaphore_mem>>
      %dma_start3A = arith.constant 0 : i32
      %dma_start3A_108 = tpu.memref_slice %arg10[%add3A_46, %dma_start3A] : memref<10000x128xf32, #tpu.memory_space<vmem_shared>> -> memref<125x128xf32, #tpu.memory_space<vmem_shared>>
      %dma_start3A_109 = arith.constant 0 : i32
      %dma_start3A_110 = tpu.memref_slice %arg10[%add3A_46, %dma_start3A_109] : memref<10000x128xf32, #tpu.memory_space<vmem_shared>> -> memref<125x128xf32, #tpu.memory_space<vmem_shared>>
      tpu.enqueue_dma source(%dma_start3A_110 : memref<125x128xf32, #tpu.memory_space<vmem_shared>>) target(%arg9 : memref<125x128xf32, #tpu.memory_space<vmem>>) target_semaphore(%run_scoped3A_107 : memref<!tpu.dma_semaphore, #tpu.memory_space<semaphore_mem>>)
      %dma_wait3A = arith.constant 0 : i32
      %dma_wait3A_111 = tpu.memref_slice %arg10[%add3A_46, %dma_wait3A] : memref<10000x128xf32, #tpu.memory_space<vmem_shared>> -> memref<125x128xf32, #tpu.memory_space<vmem_shared>>
      %dma_wait3A_112 = arith.constant 0 : i32
      %dma_wait3A_113 = tpu.memref_slice %arg10[%add3A_46, %dma_wait3A_112] : memref<10000x128xf32, #tpu.memory_space<vmem_shared>> -> memref<125x128xf32, #tpu.memory_space<vmem_shared>>
      tpu.wait_dma2 semaphore(%run_scoped3A_107 : memref<!tpu.dma_semaphore, #tpu.memory_space<semaphore_mem>>) src(%dma_wait3A_113 : memref<125x128xf32, #tpu.memory_space<vmem_shared>>) dst(%arg9 : memref<125x128xf32, #tpu.memory_space<vmem>>)
      tpu.yield
    }) : () -> ()
    %run_scoped3A_47 = arith.constant 3 : i32
    "tpu.region"() ({
      %run_scoped3A_107 = tpu.sem_alloc : memref<!tpu.dma_semaphore, #tpu.memory_space<semaphore_mem>>
      %dma_start3A = arith.constant 0 : i32
      %dma_start3A_108 = arith.constant 0 : i32
      %dma_start3A_109 = tpu.memref_slice %arg6[%arg0, %arg1, %run_scoped3A_47, %dma_start3A, %dma_start3A_108] : memref<2x16x5x125x128xf32, #tpu.memory_space<hbm>> -> memref<1x1x1x125x128xf32, #tpu.memory_space<hbm>>
      %dma_start3A_110 = tpu.memref_squeeze %dma_start3A_109 : memref<1x1x1x125x128xf32, #tpu.memory_space<hbm>> -> memref<125x128xf32, #tpu.memory_space<hbm>>
      %dma_start3A_111 = arith.constant 0 : i32
      %dma_start3A_112 = arith.constant 0 : i32
      %dma_start3A_113 = tpu.memref_slice %arg6[%arg0, %arg1, %run_scoped3A_47, %dma_start3A_111, %dma_start3A_112] : memref<2x16x5x125x128xf32, #tpu.memory_space<hbm>> -> memref<1x1x1x125x128xf32, #tpu.memory_space<hbm>>
      %dma_start3A_114 = tpu.memref_squeeze %dma_start3A_113 : memref<1x1x1x125x128xf32, #tpu.memory_space<hbm>> -> memref<125x128xf32, #tpu.memory_space<hbm>>
      tpu.enqueue_dma source(%arg9 : memref<125x128xf32, #tpu.memory_space<vmem>>) target(%dma_start3A_114 : memref<125x128xf32, #tpu.memory_space<hbm>>) target_semaphore(%run_scoped3A_107 : memref<!tpu.dma_semaphore, #tpu.memory_space<semaphore_mem>>)
      %dma_wait3A = arith.constant 0 : i32
      %dma_wait3A_115 = arith.constant 0 : i32
      %dma_wait3A_116 = tpu.memref_slice %arg6[%arg0, %arg1, %run_scoped3A_47, %dma_wait3A, %dma_wait3A_115] : memref<2x16x5x125x128xf32, #tpu.memory_space<hbm>> -> memref<1x1x1x125x128xf32, #tpu.memory_space<hbm>>
      %dma_wait3A_117 = tpu.memref_squeeze %dma_wait3A_116 : memref<1x1x1x125x128xf32, #tpu.memory_space<hbm>> -> memref<125x128xf32, #tpu.memory_space<hbm>>
      %dma_wait3A_118 = arith.constant 0 : i32
      %dma_wait3A_119 = arith.constant 0 : i32
      %dma_wait3A_120 = tpu.memref_slice %arg6[%arg0, %arg1, %run_scoped3A_47, %dma_wait3A_118, %dma_wait3A_119] : memref<2x16x5x125x128xf32, #tpu.memory_space<hbm>> -> memref<1x1x1x125x128xf32, #tpu.memory_space<hbm>>
      %dma_wait3A_121 = tpu.memref_squeeze %dma_wait3A_120 : memref<1x1x1x125x128xf32, #tpu.memory_space<hbm>> -> memref<125x128xf32, #tpu.memory_space<hbm>>
      tpu.wait_dma2 semaphore(%run_scoped3A_107 : memref<!tpu.dma_semaphore, #tpu.memory_space<semaphore_mem>>) src(%arg9 : memref<125x128xf32, #tpu.memory_space<vmem>>) dst(%dma_wait3A_121 : memref<125x128xf32, #tpu.memory_space<hbm>>)
      tpu.yield
    }) : () -> ()
    %mul3A_48 = arith.constant 625 : i32
    %mul3A_49 = arith.muli %arg1, %mul3A_48 : i32
    %add3A_50 = arith.constant 500 : i32
    %add3A_51 = arith.addi %mul3A_49, %add3A_50 : i32
    "tpu.region"() ({
      %run_scoped3A_107 = tpu.sem_alloc : memref<!tpu.dma_semaphore, #tpu.memory_space<semaphore_mem>>
      %dma_start3A = arith.constant 0 : i32
      %dma_start3A_108 = tpu.memref_slice %arg10[%add3A_51, %dma_start3A] : memref<10000x128xf32, #tpu.memory_space<vmem_shared>> -> memref<125x128xf32, #tpu.memory_space<vmem_shared>>
      %dma_start3A_109 = arith.constant 0 : i32
      %dma_start3A_110 = tpu.memref_slice %arg10[%add3A_51, %dma_start3A_109] : memref<10000x128xf32, #tpu.memory_space<vmem_shared>> -> memref<125x128xf32, #tpu.memory_space<vmem_shared>>
      tpu.enqueue_dma source(%dma_start3A_110 : memref<125x128xf32, #tpu.memory_space<vmem_shared>>) target(%arg9 : memref<125x128xf32, #tpu.memory_space<vmem>>) target_semaphore(%run_scoped3A_107 : memref<!tpu.dma_semaphore, #tpu.memory_space<semaphore_mem>>)
      %dma_wait3A = arith.constant 0 : i32
      %dma_wait3A_111 = tpu.memref_slice %arg10[%add3A_51, %dma_wait3A] : memref<10000x128xf32, #tpu.memory_space<vmem_shared>> -> memref<125x128xf32, #tpu.memory_space<vmem_shared>>
      %dma_wait3A_112 = arith.constant 0 : i32
      %dma_wait3A_113 = tpu.memref_slice %arg10[%add3A_51, %dma_wait3A_112] : memref<10000x128xf32, #tpu.memory_space<vmem_shared>> -> memref<125x128xf32, #tpu.memory_space<vmem_shared>>
      tpu.wait_dma2 semaphore(%run_scoped3A_107 : memref<!tpu.dma_semaphore, #tpu.memory_space<semaphore_mem>>) src(%dma_wait3A_113 : memref<125x128xf32, #tpu.memory_space<vmem_shared>>) dst(%arg9 : memref<125x128xf32, #tpu.memory_space<vmem>>)
      tpu.yield
    }) : () -> ()
    %run_scoped3A_52 = arith.constant 4 : i32
    "tpu.region"() ({
      %run_scoped3A_107 = tpu.sem_alloc : memref<!tpu.dma_semaphore, #tpu.memory_space<semaphore_mem>>
      %dma_start3A = arith.constant 0 : i32
      %dma_start3A_108 = arith.constant 0 : i32
      %dma_start3A_109 = tpu.memref_slice %arg6[%arg0, %arg1, %run_scoped3A_52, %dma_start3A, %dma_start3A_108] : memref<2x16x5x125x128xf32, #tpu.memory_space<hbm>> -> memref<1x1x1x125x128xf32, #tpu.memory_space<hbm>>
      %dma_start3A_110 = tpu.memref_squeeze %dma_start3A_109 : memref<1x1x1x125x128xf32, #tpu.memory_space<hbm>> -> memref<125x128xf32, #tpu.memory_space<hbm>>
      %dma_start3A_111 = arith.constant 0 : i32
      %dma_start3A_112 = arith.constant 0 : i32
      %dma_start3A_113 = tpu.memref_slice %arg6[%arg0, %arg1, %run_scoped3A_52, %dma_start3A_111, %dma_start3A_112] : memref<2x16x5x125x128xf32, #tpu.memory_space<hbm>> -> memref<1x1x1x125x128xf32, #tpu.memory_space<hbm>>
      %dma_start3A_114 = tpu.memref_squeeze %dma_start3A_113 : memref<1x1x1x125x128xf32, #tpu.memory_space<hbm>> -> memref<125x128xf32, #tpu.memory_space<hbm>>
      tpu.enqueue_dma source(%arg9 : memref<125x128xf32, #tpu.memory_space<vmem>>) target(%dma_start3A_114 : memref<125x128xf32, #tpu.memory_space<hbm>>) target_semaphore(%run_scoped3A_107 : memref<!tpu.dma_semaphore, #tpu.memory_space<semaphore_mem>>)
      %dma_wait3A = arith.constant 0 : i32
      %dma_wait3A_115 = arith.constant 0 : i32
      %dma_wait3A_116 = tpu.memref_slice %arg6[%arg0, %arg1, %run_scoped3A_52, %dma_wait3A, %dma_wait3A_115] : memref<2x16x5x125x128xf32, #tpu.memory_space<hbm>> -> memref<1x1x1x125x128xf32, #tpu.memory_space<hbm>>
      %dma_wait3A_117 = tpu.memref_squeeze %dma_wait3A_116 : memref<1x1x1x125x128xf32, #tpu.memory_space<hbm>> -> memref<125x128xf32, #tpu.memory_space<hbm>>
      %dma_wait3A_118 = arith.constant 0 : i32
      %dma_wait3A_119 = arith.constant 0 : i32
      %dma_wait3A_120 = tpu.memref_slice %arg6[%arg0, %arg1, %run_scoped3A_52, %dma_wait3A_118, %dma_wait3A_119] : memref<2x16x5x125x128xf32, #tpu.memory_space<hbm>> -> memref<1x1x1x125x128xf32, #tpu.memory_space<hbm>>
      %dma_wait3A_121 = tpu.memref_squeeze %dma_wait3A_120 : memref<1x1x1x125x128xf32, #tpu.memory_space<hbm>> -> memref<125x128xf32, #tpu.memory_space<hbm>>
      tpu.wait_dma2 semaphore(%run_scoped3A_107 : memref<!tpu.dma_semaphore, #tpu.memory_space<semaphore_mem>>) src(%arg9 : memref<125x128xf32, #tpu.memory_space<vmem>>) dst(%dma_wait3A_121 : memref<125x128xf32, #tpu.memory_space<hbm>>)
      tpu.yield
    }) : () -> ()
    %barrier3A_53 = arith.constant 0 : index
    tpu.barrier barrier_id(%barrier3A_53)
    "tpu.region"() ({
      %run_scoped3A_107 = tpu.sem_alloc : memref<!tpu.dma_semaphore, #tpu.memory_space<semaphore_mem>>
      tpu.enqueue_dma source(%arg4 : memref<125x128xf32, #tpu.memory_space<hbm>>) target(%arg9 : memref<125x128xf32, #tpu.memory_space<vmem>>) target_semaphore(%run_scoped3A_107 : memref<!tpu.dma_semaphore, #tpu.memory_space<semaphore_mem>>)
      tpu.wait_dma2 semaphore(%run_scoped3A_107 : memref<!tpu.dma_semaphore, #tpu.memory_space<semaphore_mem>>) src(%arg4 : memref<125x128xf32, #tpu.memory_space<hbm>>) dst(%arg9 : memref<125x128xf32, #tpu.memory_space<vmem>>)
      tpu.yield
    }) : () -> ()
    %mul3A_54 = arith.constant 625 : i32
    %mul3A_55 = arith.muli %arg1, %mul3A_54 : i32
    %add3A_56 = arith.constant 0 : i32
    %add3A_57 = arith.addi %mul3A_55, %add3A_56 : i32
    "tpu.region"() ({
      %run_scoped3A_107 = tpu.sem_alloc : memref<!tpu.dma_semaphore, #tpu.memory_space<semaphore_mem>>
      %dma_start3A = arith.constant 0 : i32
      %dma_start3A_108 = tpu.memref_slice %arg10[%add3A_57, %dma_start3A] : memref<10000x128xf32, #tpu.memory_space<vmem_shared>> -> memref<125x128xf32, #tpu.memory_space<vmem_shared>>
      %dma_start3A_109 = arith.constant 0 : i32
      %dma_start3A_110 = tpu.memref_slice %arg10[%add3A_57, %dma_start3A_109] : memref<10000x128xf32, #tpu.memory_space<vmem_shared>> -> memref<125x128xf32, #tpu.memory_space<vmem_shared>>
      tpu.enqueue_dma source(%arg9 : memref<125x128xf32, #tpu.memory_space<vmem>>) target(%dma_start3A_110 : memref<125x128xf32, #tpu.memory_space<vmem_shared>>) target_semaphore(%run_scoped3A_107 : memref<!tpu.dma_semaphore, #tpu.memory_space<semaphore_mem>>)
      %dma_wait3A = arith.constant 0 : i32
      %dma_wait3A_111 = tpu.memref_slice %arg10[%add3A_57, %dma_wait3A] : memref<10000x128xf32, #tpu.memory_space<vmem_shared>> -> memref<125x128xf32, #tpu.memory_space<vmem_shared>>
      %dma_wait3A_112 = arith.constant 0 : i32
      %dma_wait3A_113 = tpu.memref_slice %arg10[%add3A_57, %dma_wait3A_112] : memref<10000x128xf32, #tpu.memory_space<vmem_shared>> -> memref<125x128xf32, #tpu.memory_space<vmem_shared>>
      tpu.wait_dma2 semaphore(%run_scoped3A_107 : memref<!tpu.dma_semaphore, #tpu.memory_space<semaphore_mem>>) src(%arg9 : memref<125x128xf32, #tpu.memory_space<vmem>>) dst(%dma_wait3A_113 : memref<125x128xf32, #tpu.memory_space<vmem_shared>>)
      tpu.yield
    }) : () -> ()
    %mul3A_58 = arith.constant 625 : i32
    %mul3A_59 = arith.muli %arg1, %mul3A_58 : i32
    %add3A_60 = arith.constant 125 : i32
    %add3A_61 = arith.addi %mul3A_59, %add3A_60 : i32
    "tpu.region"() ({
      %run_scoped3A_107 = tpu.sem_alloc : memref<!tpu.dma_semaphore, #tpu.memory_space<semaphore_mem>>
      %dma_start3A = arith.constant 0 : i32
      %dma_start3A_108 = tpu.memref_slice %arg10[%add3A_61, %dma_start3A] : memref<10000x128xf32, #tpu.memory_space<vmem_shared>> -> memref<125x128xf32, #tpu.memory_space<vmem_shared>>
      %dma_start3A_109 = arith.constant 0 : i32
      %dma_start3A_110 = tpu.memref_slice %arg10[%add3A_61, %dma_start3A_109] : memref<10000x128xf32, #tpu.memory_space<vmem_shared>> -> memref<125x128xf32, #tpu.memory_space<vmem_shared>>
      tpu.enqueue_dma source(%arg9 : memref<125x128xf32, #tpu.memory_space<vmem>>) target(%dma_start3A_110 : memref<125x128xf32, #tpu.memory_space<vmem_shared>>) target_semaphore(%run_scoped3A_107 : memref<!tpu.dma_semaphore, #tpu.memory_space<semaphore_mem>>)
      %dma_wait3A = arith.constant 0 : i32
      %dma_wait3A_111 = tpu.memref_slice %arg10[%add3A_61, %dma_wait3A] : memref<10000x128xf32, #tpu.memory_space<vmem_shared>> -> memref<125x128xf32, #tpu.memory_space<vmem_shared>>
      %dma_wait3A_112 = arith.constant 0 : i32
      %dma_wait3A_113 = tpu.memref_slice %arg10[%add3A_61, %dma_wait3A_112] : memref<10000x128xf32, #tpu.memory_space<vmem_shared>> -> memref<125x128xf32, #tpu.memory_space<vmem_shared>>
      tpu.wait_dma2 semaphore(%run_scoped3A_107 : memref<!tpu.dma_semaphore, #tpu.memory_space<semaphore_mem>>) src(%arg9 : memref<125x128xf32, #tpu.memory_space<vmem>>) dst(%dma_wait3A_113 : memref<125x128xf32, #tpu.memory_space<vmem_shared>>)
      tpu.yield
    }) : () -> ()
    %mul3A_62 = arith.constant 625 : i32
    %mul3A_63 = arith.muli %arg1, %mul3A_62 : i32
    %add3A_64 = arith.constant 250 : i32
    %add3A_65 = arith.addi %mul3A_63, %add3A_64 : i32
    "tpu.region"() ({
      %run_scoped3A_107 = tpu.sem_alloc : memref<!tpu.dma_semaphore, #tpu.memory_space<semaphore_mem>>
      %dma_start3A = arith.constant 0 : i32
      %dma_start3A_108 = tpu.memref_slice %arg10[%add3A_65, %dma_start3A] : memref<10000x128xf32, #tpu.memory_space<vmem_shared>> -> memref<125x128xf32, #tpu.memory_space<vmem_shared>>
      %dma_start3A_109 = arith.constant 0 : i32
      %dma_start3A_110 = tpu.memref_slice %arg10[%add3A_65, %dma_start3A_109] : memref<10000x128xf32, #tpu.memory_space<vmem_shared>> -> memref<125x128xf32, #tpu.memory_space<vmem_shared>>
      tpu.enqueue_dma source(%arg9 : memref<125x128xf32, #tpu.memory_space<vmem>>) target(%dma_start3A_110 : memref<125x128xf32, #tpu.memory_space<vmem_shared>>) target_semaphore(%run_scoped3A_107 : memref<!tpu.dma_semaphore, #tpu.memory_space<semaphore_mem>>)
      %dma_wait3A = arith.constant 0 : i32
      %dma_wait3A_111 = tpu.memref_slice %arg10[%add3A_65, %dma_wait3A] : memref<10000x128xf32, #tpu.memory_space<vmem_shared>> -> memref<125x128xf32, #tpu.memory_space<vmem_shared>>
      %dma_wait3A_112 = arith.constant 0 : i32
      %dma_wait3A_113 = tpu.memref_slice %arg10[%add3A_65, %dma_wait3A_112] : memref<10000x128xf32, #tpu.memory_space<vmem_shared>> -> memref<125x128xf32, #tpu.memory_space<vmem_shared>>
      tpu.wait_dma2 semaphore(%run_scoped3A_107 : memref<!tpu.dma_semaphore, #tpu.memory_space<semaphore_mem>>) src(%arg9 : memref<125x128xf32, #tpu.memory_space<vmem>>) dst(%dma_wait3A_113 : memref<125x128xf32, #tpu.memory_space<vmem_shared>>)
      tpu.yield
    }) : () -> ()
    %mul3A_66 = arith.constant 625 : i32
    %mul3A_67 = arith.muli %arg1, %mul3A_66 : i32
    %add3A_68 = arith.constant 375 : i32
    %add3A_69 = arith.addi %mul3A_67, %add3A_68 : i32
    "tpu.region"() ({
      %run_scoped3A_107 = tpu.sem_alloc : memref<!tpu.dma_semaphore, #tpu.memory_space<semaphore_mem>>
      %dma_start3A = arith.constant 0 : i32
      %dma_start3A_108 = tpu.memref_slice %arg10[%add3A_69, %dma_start3A] : memref<10000x128xf32, #tpu.memory_space<vmem_shared>> -> memref<125x128xf32, #tpu.memory_space<vmem_shared>>
      %dma_start3A_109 = arith.constant 0 : i32
      %dma_start3A_110 = tpu.memref_slice %arg10[%add3A_69, %dma_start3A_109] : memref<10000x128xf32, #tpu.memory_space<vmem_shared>> -> memref<125x128xf32, #tpu.memory_space<vmem_shared>>
      tpu.enqueue_dma source(%arg9 : memref<125x128xf32, #tpu.memory_space<vmem>>) target(%dma_start3A_110 : memref<125x128xf32, #tpu.memory_space<vmem_shared>>) target_semaphore(%run_scoped3A_107 : memref<!tpu.dma_semaphore, #tpu.memory_space<semaphore_mem>>)
      %dma_wait3A = arith.constant 0 : i32
      %dma_wait3A_111 = tpu.memref_slice %arg10[%add3A_69, %dma_wait3A] : memref<10000x128xf32, #tpu.memory_space<vmem_shared>> -> memref<125x128xf32, #tpu.memory_space<vmem_shared>>
      %dma_wait3A_112 = arith.constant 0 : i32
      %dma_wait3A_113 = tpu.memref_slice %arg10[%add3A_69, %dma_wait3A_112] : memref<10000x128xf32, #tpu.memory_space<vmem_shared>> -> memref<125x128xf32, #tpu.memory_space<vmem_shared>>
      tpu.wait_dma2 semaphore(%run_scoped3A_107 : memref<!tpu.dma_semaphore, #tpu.memory_space<semaphore_mem>>) src(%arg9 : memref<125x128xf32, #tpu.memory_space<vmem>>) dst(%dma_wait3A_113 : memref<125x128xf32, #tpu.memory_space<vmem_shared>>)
      tpu.yield
    }) : () -> ()
    %mul3A_70 = arith.constant 625 : i32
    %mul3A_71 = arith.muli %arg1, %mul3A_70 : i32
    %add3A_72 = arith.constant 500 : i32
    %add3A_73 = arith.addi %mul3A_71, %add3A_72 : i32
    "tpu.region"() ({
      %run_scoped3A_107 = tpu.sem_alloc : memref<!tpu.dma_semaphore, #tpu.memory_space<semaphore_mem>>
      %dma_start3A = arith.constant 0 : i32
      %dma_start3A_108 = tpu.memref_slice %arg10[%add3A_73, %dma_start3A] : memref<10000x128xf32, #tpu.memory_space<vmem_shared>> -> memref<125x128xf32, #tpu.memory_space<vmem_shared>>
      %dma_start3A_109 = arith.constant 0 : i32
      %dma_start3A_110 = tpu.memref_slice %arg10[%add3A_73, %dma_start3A_109] : memref<10000x128xf32, #tpu.memory_space<vmem_shared>> -> memref<125x128xf32, #tpu.memory_space<vmem_shared>>
      tpu.enqueue_dma source(%arg9 : memref<125x128xf32, #tpu.memory_space<vmem>>) target(%dma_start3A_110 : memref<125x128xf32, #tpu.memory_space<vmem_shared>>) target_semaphore(%run_scoped3A_107 : memref<!tpu.dma_semaphore, #tpu.memory_space<semaphore_mem>>)
      %dma_wait3A = arith.constant 0 : i32
      %dma_wait3A_111 = tpu.memref_slice %arg10[%add3A_73, %dma_wait3A] : memref<10000x128xf32, #tpu.memory_space<vmem_shared>> -> memref<125x128xf32, #tpu.memory_space<vmem_shared>>
      %dma_wait3A_112 = arith.constant 0 : i32
      %dma_wait3A_113 = tpu.memref_slice %arg10[%add3A_73, %dma_wait3A_112] : memref<10000x128xf32, #tpu.memory_space<vmem_shared>> -> memref<125x128xf32, #tpu.memory_space<vmem_shared>>
      tpu.wait_dma2 semaphore(%run_scoped3A_107 : memref<!tpu.dma_semaphore, #tpu.memory_space<semaphore_mem>>) src(%arg9 : memref<125x128xf32, #tpu.memory_space<vmem>>) dst(%dma_wait3A_113 : memref<125x128xf32, #tpu.memory_space<vmem_shared>>)
      tpu.yield
    }) : () -> ()
    %barrier3A_74 = arith.constant 0 : index
    tpu.barrier barrier_id(%barrier3A_74)
    "tpu.region"() ({
      %run_scoped3A_107 = tpu.sem_alloc : memref<!tpu.dma_semaphore, #tpu.memory_space<semaphore_mem>>
      tpu.enqueue_dma source(%arg5 : memref<125x128xf32, #tpu.memory_space<hbm>>) target(%arg9 : memref<125x128xf32, #tpu.memory_space<vmem>>) target_semaphore(%run_scoped3A_107 : memref<!tpu.dma_semaphore, #tpu.memory_space<semaphore_mem>>)
      tpu.wait_dma2 semaphore(%run_scoped3A_107 : memref<!tpu.dma_semaphore, #tpu.memory_space<semaphore_mem>>) src(%arg5 : memref<125x128xf32, #tpu.memory_space<hbm>>) dst(%arg9 : memref<125x128xf32, #tpu.memory_space<vmem>>)
      tpu.yield
    }) : () -> ()
    %scan3A_75 = arith.constant 0 : i32
    %scan3A_76 = arith.constant 0 : i32
    %scan3A_77 = arith.constant 80 : i32
    %scan3A_78 = arith.addi %scan3A_76, %scan3A_77 : i32
    %scan3A_79 = arith.constant 1 : i32
    scf.for %scan3A_107 = %scan3A_76 to %scan3A_78 step %scan3A_79  : i32 {
      "tpu.region"() ({
        %run_scoped3A_108 = tpu.sem_alloc : memref<!tpu.dma_semaphore, #tpu.memory_space<semaphore_mem>>
        %dma_start3A = arith.constant 0 : i32
        %dma_start3A_109 = tpu.memref_slice %arg8[%scan3A_107, %dma_start3A] : memref<80x125xi32, #tpu.memory_space<vmem>> -> memref<1x125xi32, #tpu.memory_space<vmem>>
        %dma_start3A_110 = tpu.memref_squeeze %dma_start3A_109 : memref<1x125xi32, #tpu.memory_space<vmem>> -> memref<125xi32, #tpu.memory_space<vmem>>
        %dma_start3A_111 = arith.constant 0 : i32
        %dma_start3A_112 = arith.constant 0 : i32
        %dma_start3A_113 = tpu.memref_slice %arg10[%dma_start3A_111, %dma_start3A_112] : memref<10000x128xf32, #tpu.memory_space<vmem_shared>> -> memref<10000x128xf32, #tpu.memory_space<vmem_shared>>
        tpu.enqueue_indirect_dma source(%arg9 : memref<125x128xf32, #tpu.memory_space<vmem>>) target(%dma_start3A_113 : memref<10000x128xf32, #tpu.memory_space<vmem_shared>>) offsets(%dma_start3A_110 : memref<125xi32, #tpu.memory_space<vmem>>) semaphore(%run_scoped3A_108 : memref<!tpu.dma_semaphore, #tpu.memory_space<semaphore_mem>>) {add = true}
        %dma_wait3A = arith.constant 0 : i32
        %dma_wait3A_114 = tpu.memref_slice %arg8[%scan3A_107, %dma_wait3A] : memref<80x125xi32, #tpu.memory_space<vmem>> -> memref<1x125xi32, #tpu.memory_space<vmem>>
        %dma_wait3A_115 = tpu.memref_squeeze %dma_wait3A_114 : memref<1x125xi32, #tpu.memory_space<vmem>> -> memref<125xi32, #tpu.memory_space<vmem>>
        %dma_wait3A_116 = arith.constant 0 : i32
        %dma_wait3A_117 = arith.constant 0 : i32
        %dma_wait3A_118 = tpu.memref_slice %arg10[%dma_wait3A_116, %dma_wait3A_117] : memref<10000x128xf32, #tpu.memory_space<vmem_shared>> -> memref<10000x128xf32, #tpu.memory_space<vmem_shared>>
        tpu.wait_indirect_dma semaphore(%run_scoped3A_108 : memref<!tpu.dma_semaphore, #tpu.memory_space<semaphore_mem>>) src(%arg9 : memref<125x128xf32, #tpu.memory_space<vmem>>) dst(%dma_wait3A_118 : memref<10000x128xf32, #tpu.memory_space<vmem_shared>>)
        tpu.yield
      }) : () -> ()
    }
    %scan3A_80 = arith.constant 80 : i32
    %barrier3A_81 = arith.constant 0 : index
    tpu.barrier barrier_id(%barrier3A_81)
    %mul3A_82 = arith.constant 625 : i32
    %mul3A_83 = arith.muli %arg1, %mul3A_82 : i32
    %add3A_84 = arith.constant 0 : i32
    %add3A_85 = arith.addi %mul3A_83, %add3A_84 : i32
    "tpu.region"() ({
      %run_scoped3A_107 = tpu.sem_alloc : memref<!tpu.dma_semaphore, #tpu.memory_space<semaphore_mem>>
      %dma_start3A = arith.constant 0 : i32
      %dma_start3A_108 = tpu.memref_slice %arg10[%add3A_85, %dma_start3A] : memref<10000x128xf32, #tpu.memory_space<vmem_shared>> -> memref<125x128xf32, #tpu.memory_space<vmem_shared>>
      %dma_start3A_109 = arith.constant 0 : i32
      %dma_start3A_110 = tpu.memref_slice %arg10[%add3A_85, %dma_start3A_109] : memref<10000x128xf32, #tpu.memory_space<vmem_shared>> -> memref<125x128xf32, #tpu.memory_space<vmem_shared>>
      tpu.enqueue_dma source(%dma_start3A_110 : memref<125x128xf32, #tpu.memory_space<vmem_shared>>) target(%arg9 : memref<125x128xf32, #tpu.memory_space<vmem>>) target_semaphore(%run_scoped3A_107 : memref<!tpu.dma_semaphore, #tpu.memory_space<semaphore_mem>>)
      %dma_wait3A = arith.constant 0 : i32
      %dma_wait3A_111 = tpu.memref_slice %arg10[%add3A_85, %dma_wait3A] : memref<10000x128xf32, #tpu.memory_space<vmem_shared>> -> memref<125x128xf32, #tpu.memory_space<vmem_shared>>
      %dma_wait3A_112 = arith.constant 0 : i32
      %dma_wait3A_113 = tpu.memref_slice %arg10[%add3A_85, %dma_wait3A_112] : memref<10000x128xf32, #tpu.memory_space<vmem_shared>> -> memref<125x128xf32, #tpu.memory_space<vmem_shared>>
      tpu.wait_dma2 semaphore(%run_scoped3A_107 : memref<!tpu.dma_semaphore, #tpu.memory_space<semaphore_mem>>) src(%dma_wait3A_113 : memref<125x128xf32, #tpu.memory_space<vmem_shared>>) dst(%arg9 : memref<125x128xf32, #tpu.memory_space<vmem>>)
      tpu.yield
    }) : () -> ()
    %run_scoped3A_86 = arith.constant 0 : i32
    "tpu.region"() ({
      %run_scoped3A_107 = tpu.sem_alloc : memref<!tpu.dma_semaphore, #tpu.memory_space<semaphore_mem>>
      %dma_start3A = arith.constant 0 : i32
      %dma_start3A_108 = arith.constant 0 : i32
      %dma_start3A_109 = tpu.memref_slice %arg7[%arg0, %arg1, %run_scoped3A_86, %dma_start3A, %dma_start3A_108] : memref<2x16x5x125x128xf32, #tpu.memory_space<hbm>> -> memref<1x1x1x125x128xf32, #tpu.memory_space<hbm>>
      %dma_start3A_110 = tpu.memref_squeeze %dma_start3A_109 : memref<1x1x1x125x128xf32, #tpu.memory_space<hbm>> -> memref<125x128xf32, #tpu.memory_space<hbm>>
      %dma_start3A_111 = arith.constant 0 : i32
      %dma_start3A_112 = arith.constant 0 : i32
      %dma_start3A_113 = tpu.memref_slice %arg7[%arg0, %arg1, %run_scoped3A_86, %dma_start3A_111, %dma_start3A_112] : memref<2x16x5x125x128xf32, #tpu.memory_space<hbm>> -> memref<1x1x1x125x128xf32, #tpu.memory_space<hbm>>
      %dma_start3A_114 = tpu.memref_squeeze %dma_start3A_113 : memref<1x1x1x125x128xf32, #tpu.memory_space<hbm>> -> memref<125x128xf32, #tpu.memory_space<hbm>>
      tpu.enqueue_dma source(%arg9 : memref<125x128xf32, #tpu.memory_space<vmem>>) target(%dma_start3A_114 : memref<125x128xf32, #tpu.memory_space<hbm>>) target_semaphore(%run_scoped3A_107 : memref<!tpu.dma_semaphore, #tpu.memory_space<semaphore_mem>>)
      %dma_wait3A = arith.constant 0 : i32
      %dma_wait3A_115 = arith.constant 0 : i32
      %dma_wait3A_116 = tpu.memref_slice %arg7[%arg0, %arg1, %run_scoped3A_86, %dma_wait3A, %dma_wait3A_115] : memref<2x16x5x125x128xf32, #tpu.memory_space<hbm>> -> memref<1x1x1x125x128xf32, #tpu.memory_space<hbm>>
      %dma_wait3A_117 = tpu.memref_squeeze %dma_wait3A_116 : memref<1x1x1x125x128xf32, #tpu.memory_space<hbm>> -> memref<125x128xf32, #tpu.memory_space<hbm>>
      %dma_wait3A_118 = arith.constant 0 : i32
      %dma_wait3A_119 = arith.constant 0 : i32
      %dma_wait3A_120 = tpu.memref_slice %arg7[%arg0, %arg1, %run_scoped3A_86, %dma_wait3A_118, %dma_wait3A_119] : memref<2x16x5x125x128xf32, #tpu.memory_space<hbm>> -> memref<1x1x1x125x128xf32, #tpu.memory_space<hbm>>
      %dma_wait3A_121 = tpu.memref_squeeze %dma_wait3A_120 : memref<1x1x1x125x128xf32, #tpu.memory_space<hbm>> -> memref<125x128xf32, #tpu.memory_space<hbm>>
      tpu.wait_dma2 semaphore(%run_scoped3A_107 : memref<!tpu.dma_semaphore, #tpu.memory_space<semaphore_mem>>) src(%arg9 : memref<125x128xf32, #tpu.memory_space<vmem>>) dst(%dma_wait3A_121 : memref<125x128xf32, #tpu.memory_space<hbm>>)
      tpu.yield
    }) : () -> ()
    %mul3A_87 = arith.constant 625 : i32
    %mul3A_88 = arith.muli %arg1, %mul3A_87 : i32
    %add3A_89 = arith.constant 125 : i32
    %add3A_90 = arith.addi %mul3A_88, %add3A_89 : i32
    "tpu.region"() ({
      %run_scoped3A_107 = tpu.sem_alloc : memref<!tpu.dma_semaphore, #tpu.memory_space<semaphore_mem>>
      %dma_start3A = arith.constant 0 : i32
      %dma_start3A_108 = tpu.memref_slice %arg10[%add3A_90, %dma_start3A] : memref<10000x128xf32, #tpu.memory_space<vmem_shared>> -> memref<125x128xf32, #tpu.memory_space<vmem_shared>>
      %dma_start3A_109 = arith.constant 0 : i32
      %dma_start3A_110 = tpu.memref_slice %arg10[%add3A_90, %dma_start3A_109] : memref<10000x128xf32, #tpu.memory_space<vmem_shared>> -> memref<125x128xf32, #tpu.memory_space<vmem_shared>>
      tpu.enqueue_dma source(%dma_start3A_110 : memref<125x128xf32, #tpu.memory_space<vmem_shared>>) target(%arg9 : memref<125x128xf32, #tpu.memory_space<vmem>>) target_semaphore(%run_scoped3A_107 : memref<!tpu.dma_semaphore, #tpu.memory_space<semaphore_mem>>)
      %dma_wait3A = arith.constant 0 : i32
      %dma_wait3A_111 = tpu.memref_slice %arg10[%add3A_90, %dma_wait3A] : memref<10000x128xf32, #tpu.memory_space<vmem_shared>> -> memref<125x128xf32, #tpu.memory_space<vmem_shared>>
      %dma_wait3A_112 = arith.constant 0 : i32
      %dma_wait3A_113 = tpu.memref_slice %arg10[%add3A_90, %dma_wait3A_112] : memref<10000x128xf32, #tpu.memory_space<vmem_shared>> -> memref<125x128xf32, #tpu.memory_space<vmem_shared>>
      tpu.wait_dma2 semaphore(%run_scoped3A_107 : memref<!tpu.dma_semaphore, #tpu.memory_space<semaphore_mem>>) src(%dma_wait3A_113 : memref<125x128xf32, #tpu.memory_space<vmem_shared>>) dst(%arg9 : memref<125x128xf32, #tpu.memory_space<vmem>>)
      tpu.yield
    }) : () -> ()
    %run_scoped3A_91 = arith.constant 1 : i32
    "tpu.region"() ({
      %run_scoped3A_107 = tpu.sem_alloc : memref<!tpu.dma_semaphore, #tpu.memory_space<semaphore_mem>>
      %dma_start3A = arith.constant 0 : i32
      %dma_start3A_108 = arith.constant 0 : i32
      %dma_start3A_109 = tpu.memref_slice %arg7[%arg0, %arg1, %run_scoped3A_91, %dma_start3A, %dma_start3A_108] : memref<2x16x5x125x128xf32, #tpu.memory_space<hbm>> -> memref<1x1x1x125x128xf32, #tpu.memory_space<hbm>>
      %dma_start3A_110 = tpu.memref_squeeze %dma_start3A_109 : memref<1x1x1x125x128xf32, #tpu.memory_space<hbm>> -> memref<125x128xf32, #tpu.memory_space<hbm>>
      %dma_start3A_111 = arith.constant 0 : i32
      %dma_start3A_112 = arith.constant 0 : i32
      %dma_start3A_113 = tpu.memref_slice %arg7[%arg0, %arg1, %run_scoped3A_91, %dma_start3A_111, %dma_start3A_112] : memref<2x16x5x125x128xf32, #tpu.memory_space<hbm>> -> memref<1x1x1x125x128xf32, #tpu.memory_space<hbm>>
      %dma_start3A_114 = tpu.memref_squeeze %dma_start3A_113 : memref<1x1x1x125x128xf32, #tpu.memory_space<hbm>> -> memref<125x128xf32, #tpu.memory_space<hbm>>
      tpu.enqueue_dma source(%arg9 : memref<125x128xf32, #tpu.memory_space<vmem>>) target(%dma_start3A_114 : memref<125x128xf32, #tpu.memory_space<hbm>>) target_semaphore(%run_scoped3A_107 : memref<!tpu.dma_semaphore, #tpu.memory_space<semaphore_mem>>)
      %dma_wait3A = arith.constant 0 : i32
      %dma_wait3A_115 = arith.constant 0 : i32
      %dma_wait3A_116 = tpu.memref_slice %arg7[%arg0, %arg1, %run_scoped3A_91, %dma_wait3A, %dma_wait3A_115] : memref<2x16x5x125x128xf32, #tpu.memory_space<hbm>> -> memref<1x1x1x125x128xf32, #tpu.memory_space<hbm>>
      %dma_wait3A_117 = tpu.memref_squeeze %dma_wait3A_116 : memref<1x1x1x125x128xf32, #tpu.memory_space<hbm>> -> memref<125x128xf32, #tpu.memory_space<hbm>>
      %dma_wait3A_118 = arith.constant 0 : i32
      %dma_wait3A_119 = arith.constant 0 : i32
      %dma_wait3A_120 = tpu.memref_slice %arg7[%arg0, %arg1, %run_scoped3A_91, %dma_wait3A_118, %dma_wait3A_119] : memref<2x16x5x125x128xf32, #tpu.memory_space<hbm>> -> memref<1x1x1x125x128xf32, #tpu.memory_space<hbm>>
      %dma_wait3A_121 = tpu.memref_squeeze %dma_wait3A_120 : memref<1x1x1x125x128xf32, #tpu.memory_space<hbm>> -> memref<125x128xf32, #tpu.memory_space<hbm>>
      tpu.wait_dma2 semaphore(%run_scoped3A_107 : memref<!tpu.dma_semaphore, #tpu.memory_space<semaphore_mem>>) src(%arg9 : memref<125x128xf32, #tpu.memory_space<vmem>>) dst(%dma_wait3A_121 : memref<125x128xf32, #tpu.memory_space<hbm>>)
      tpu.yield
    }) : () -> ()
    %mul3A_92 = arith.constant 625 : i32
    %mul3A_93 = arith.muli %arg1, %mul3A_92 : i32
    %add3A_94 = arith.constant 250 : i32
    %add3A_95 = arith.addi %mul3A_93, %add3A_94 : i32
    "tpu.region"() ({
      %run_scoped3A_107 = tpu.sem_alloc : memref<!tpu.dma_semaphore, #tpu.memory_space<semaphore_mem>>
      %dma_start3A = arith.constant 0 : i32
      %dma_start3A_108 = tpu.memref_slice %arg10[%add3A_95, %dma_start3A] : memref<10000x128xf32, #tpu.memory_space<vmem_shared>> -> memref<125x128xf32, #tpu.memory_space<vmem_shared>>
      %dma_start3A_109 = arith.constant 0 : i32
      %dma_start3A_110 = tpu.memref_slice %arg10[%add3A_95, %dma_start3A_109] : memref<10000x128xf32, #tpu.memory_space<vmem_shared>> -> memref<125x128xf32, #tpu.memory_space<vmem_shared>>
      tpu.enqueue_dma source(%dma_start3A_110 : memref<125x128xf32, #tpu.memory_space<vmem_shared>>) target(%arg9 : memref<125x128xf32, #tpu.memory_space<vmem>>) target_semaphore(%run_scoped3A_107 : memref<!tpu.dma_semaphore, #tpu.memory_space<semaphore_mem>>)
      %dma_wait3A = arith.constant 0 : i32
      %dma_wait3A_111 = tpu.memref_slice %arg10[%add3A_95, %dma_wait3A] : memref<10000x128xf32, #tpu.memory_space<vmem_shared>> -> memref<125x128xf32, #tpu.memory_space<vmem_shared>>
      %dma_wait3A_112 = arith.constant 0 : i32
      %dma_wait3A_113 = tpu.memref_slice %arg10[%add3A_95, %dma_wait3A_112] : memref<10000x128xf32, #tpu.memory_space<vmem_shared>> -> memref<125x128xf32, #tpu.memory_space<vmem_shared>>
      tpu.wait_dma2 semaphore(%run_scoped3A_107 : memref<!tpu.dma_semaphore, #tpu.memory_space<semaphore_mem>>) src(%dma_wait3A_113 : memref<125x128xf32, #tpu.memory_space<vmem_shared>>) dst(%arg9 : memref<125x128xf32, #tpu.memory_space<vmem>>)
      tpu.yield
    }) : () -> ()
    %run_scoped3A_96 = arith.constant 2 : i32
    "tpu.region"() ({
      %run_scoped3A_107 = tpu.sem_alloc : memref<!tpu.dma_semaphore, #tpu.memory_space<semaphore_mem>>
      %dma_start3A = arith.constant 0 : i32
      %dma_start3A_108 = arith.constant 0 : i32
      %dma_start3A_109 = tpu.memref_slice %arg7[%arg0, %arg1, %run_scoped3A_96, %dma_start3A, %dma_start3A_108] : memref<2x16x5x125x128xf32, #tpu.memory_space<hbm>> -> memref<1x1x1x125x128xf32, #tpu.memory_space<hbm>>
      %dma_start3A_110 = tpu.memref_squeeze %dma_start3A_109 : memref<1x1x1x125x128xf32, #tpu.memory_space<hbm>> -> memref<125x128xf32, #tpu.memory_space<hbm>>
      %dma_start3A_111 = arith.constant 0 : i32
      %dma_start3A_112 = arith.constant 0 : i32
      %dma_start3A_113 = tpu.memref_slice %arg7[%arg0, %arg1, %run_scoped3A_96, %dma_start3A_111, %dma_start3A_112] : memref<2x16x5x125x128xf32, #tpu.memory_space<hbm>> -> memref<1x1x1x125x128xf32, #tpu.memory_space<hbm>>
      %dma_start3A_114 = tpu.memref_squeeze %dma_start3A_113 : memref<1x1x1x125x128xf32, #tpu.memory_space<hbm>> -> memref<125x128xf32, #tpu.memory_space<hbm>>
      tpu.enqueue_dma source(%arg9 : memref<125x128xf32, #tpu.memory_space<vmem>>) target(%dma_start3A_114 : memref<125x128xf32, #tpu.memory_space<hbm>>) target_semaphore(%run_scoped3A_107 : memref<!tpu.dma_semaphore, #tpu.memory_space<semaphore_mem>>)
      %dma_wait3A = arith.constant 0 : i32
      %dma_wait3A_115 = arith.constant 0 : i32
      %dma_wait3A_116 = tpu.memref_slice %arg7[%arg0, %arg1, %run_scoped3A_96, %dma_wait3A, %dma_wait3A_115] : memref<2x16x5x125x128xf32, #tpu.memory_space<hbm>> -> memref<1x1x1x125x128xf32, #tpu.memory_space<hbm>>
      %dma_wait3A_117 = tpu.memref_squeeze %dma_wait3A_116 : memref<1x1x1x125x128xf32, #tpu.memory_space<hbm>> -> memref<125x128xf32, #tpu.memory_space<hbm>>
      %dma_wait3A_118 = arith.constant 0 : i32
      %dma_wait3A_119 = arith.constant 0 : i32
      %dma_wait3A_120 = tpu.memref_slice %arg7[%arg0, %arg1, %run_scoped3A_96, %dma_wait3A_118, %dma_wait3A_119] : memref<2x16x5x125x128xf32, #tpu.memory_space<hbm>> -> memref<1x1x1x125x128xf32, #tpu.memory_space<hbm>>
      %dma_wait3A_121 = tpu.memref_squeeze %dma_wait3A_120 : memref<1x1x1x125x128xf32, #tpu.memory_space<hbm>> -> memref<125x128xf32, #tpu.memory_space<hbm>>
      tpu.wait_dma2 semaphore(%run_scoped3A_107 : memref<!tpu.dma_semaphore, #tpu.memory_space<semaphore_mem>>) src(%arg9 : memref<125x128xf32, #tpu.memory_space<vmem>>) dst(%dma_wait3A_121 : memref<125x128xf32, #tpu.memory_space<hbm>>)
      tpu.yield
    }) : () -> ()
    %mul3A_97 = arith.constant 625 : i32
    %mul3A_98 = arith.muli %arg1, %mul3A_97 : i32
    %add3A_99 = arith.constant 375 : i32
    %add3A_100 = arith.addi %mul3A_98, %add3A_99 : i32
    "tpu.region"() ({
      %run_scoped3A_107 = tpu.sem_alloc : memref<!tpu.dma_semaphore, #tpu.memory_space<semaphore_mem>>
      %dma_start3A = arith.constant 0 : i32
      %dma_start3A_108 = tpu.memref_slice %arg10[%add3A_100, %dma_start3A] : memref<10000x128xf32, #tpu.memory_space<vmem_shared>> -> memref<125x128xf32, #tpu.memory_space<vmem_shared>>
      %dma_start3A_109 = arith.constant 0 : i32
      %dma_start3A_110 = tpu.memref_slice %arg10[%add3A_100, %dma_start3A_109] : memref<10000x128xf32, #tpu.memory_space<vmem_shared>> -> memref<125x128xf32, #tpu.memory_space<vmem_shared>>
      tpu.enqueue_dma source(%dma_start3A_110 : memref<125x128xf32, #tpu.memory_space<vmem_shared>>) target(%arg9 : memref<125x128xf32, #tpu.memory_space<vmem>>) target_semaphore(%run_scoped3A_107 : memref<!tpu.dma_semaphore, #tpu.memory_space<semaphore_mem>>)
      %dma_wait3A = arith.constant 0 : i32
      %dma_wait3A_111 = tpu.memref_slice %arg10[%add3A_100, %dma_wait3A] : memref<10000x128xf32, #tpu.memory_space<vmem_shared>> -> memref<125x128xf32, #tpu.memory_space<vmem_shared>>
      %dma_wait3A_112 = arith.constant 0 : i32
      %dma_wait3A_113 = tpu.memref_slice %arg10[%add3A_100, %dma_wait3A_112] : memref<10000x128xf32, #tpu.memory_space<vmem_shared>> -> memref<125x128xf32, #tpu.memory_space<vmem_shared>>
      tpu.wait_dma2 semaphore(%run_scoped3A_107 : memref<!tpu.dma_semaphore, #tpu.memory_space<semaphore_mem>>) src(%dma_wait3A_113 : memref<125x128xf32, #tpu.memory_space<vmem_shared>>) dst(%arg9 : memref<125x128xf32, #tpu.memory_space<vmem>>)
      tpu.yield
    }) : () -> ()
    %run_scoped3A_101 = arith.constant 3 : i32
    "tpu.region"() ({
      %run_scoped3A_107 = tpu.sem_alloc : memref<!tpu.dma_semaphore, #tpu.memory_space<semaphore_mem>>
      %dma_start3A = arith.constant 0 : i32
      %dma_start3A_108 = arith.constant 0 : i32
      %dma_start3A_109 = tpu.memref_slice %arg7[%arg0, %arg1, %run_scoped3A_101, %dma_start3A, %dma_start3A_108] : memref<2x16x5x125x128xf32, #tpu.memory_space<hbm>> -> memref<1x1x1x125x128xf32, #tpu.memory_space<hbm>>
      %dma_start3A_110 = tpu.memref_squeeze %dma_start3A_109 : memref<1x1x1x125x128xf32, #tpu.memory_space<hbm>> -> memref<125x128xf32, #tpu.memory_space<hbm>>
      %dma_start3A_111 = arith.constant 0 : i32
      %dma_start3A_112 = arith.constant 0 : i32
      %dma_start3A_113 = tpu.memref_slice %arg7[%arg0, %arg1, %run_scoped3A_101, %dma_start3A_111, %dma_start3A_112] : memref<2x16x5x125x128xf32, #tpu.memory_space<hbm>> -> memref<1x1x1x125x128xf32, #tpu.memory_space<hbm>>
      %dma_start3A_114 = tpu.memref_squeeze %dma_start3A_113 : memref<1x1x1x125x128xf32, #tpu.memory_space<hbm>> -> memref<125x128xf32, #tpu.memory_space<hbm>>
      tpu.enqueue_dma source(%arg9 : memref<125x128xf32, #tpu.memory_space<vmem>>) target(%dma_start3A_114 : memref<125x128xf32, #tpu.memory_space<hbm>>) target_semaphore(%run_scoped3A_107 : memref<!tpu.dma_semaphore, #tpu.memory_space<semaphore_mem>>)
      %dma_wait3A = arith.constant 0 : i32
      %dma_wait3A_115 = arith.constant 0 : i32
      %dma_wait3A_116 = tpu.memref_slice %arg7[%arg0, %arg1, %run_scoped3A_101, %dma_wait3A, %dma_wait3A_115] : memref<2x16x5x125x128xf32, #tpu.memory_space<hbm>> -> memref<1x1x1x125x128xf32, #tpu.memory_space<hbm>>
      %dma_wait3A_117 = tpu.memref_squeeze %dma_wait3A_116 : memref<1x1x1x125x128xf32, #tpu.memory_space<hbm>> -> memref<125x128xf32, #tpu.memory_space<hbm>>
      %dma_wait3A_118 = arith.constant 0 : i32
      %dma_wait3A_119 = arith.constant 0 : i32
      %dma_wait3A_120 = tpu.memref_slice %arg7[%arg0, %arg1, %run_scoped3A_101, %dma_wait3A_118, %dma_wait3A_119] : memref<2x16x5x125x128xf32, #tpu.memory_space<hbm>> -> memref<1x1x1x125x128xf32, #tpu.memory_space<hbm>>
      %dma_wait3A_121 = tpu.memref_squeeze %dma_wait3A_120 : memref<1x1x1x125x128xf32, #tpu.memory_space<hbm>> -> memref<125x128xf32, #tpu.memory_space<hbm>>
      tpu.wait_dma2 semaphore(%run_scoped3A_107 : memref<!tpu.dma_semaphore, #tpu.memory_space<semaphore_mem>>) src(%arg9 : memref<125x128xf32, #tpu.memory_space<vmem>>) dst(%dma_wait3A_121 : memref<125x128xf32, #tpu.memory_space<hbm>>)
      tpu.yield
    }) : () -> ()
    %mul3A_102 = arith.constant 625 : i32
    %mul3A_103 = arith.muli %arg1, %mul3A_102 : i32
    %add3A_104 = arith.constant 500 : i32
    %add3A_105 = arith.addi %mul3A_103, %add3A_104 : i32
    "tpu.region"() ({
      %run_scoped3A_107 = tpu.sem_alloc : memref<!tpu.dma_semaphore, #tpu.memory_space<semaphore_mem>>
      %dma_start3A = arith.constant 0 : i32
      %dma_start3A_108 = tpu.memref_slice %arg10[%add3A_105, %dma_start3A] : memref<10000x128xf32, #tpu.memory_space<vmem_shared>> -> memref<125x128xf32, #tpu.memory_space<vmem_shared>>
      %dma_start3A_109 = arith.constant 0 : i32
      %dma_start3A_110 = tpu.memref_slice %arg10[%add3A_105, %dma_start3A_109] : memref<10000x128xf32, #tpu.memory_space<vmem_shared>> -> memref<125x128xf32, #tpu.memory_space<vmem_shared>>
      tpu.enqueue_dma source(%dma_start3A_110 : memref<125x128xf32, #tpu.memory_space<vmem_shared>>) target(%arg9 : memref<125x128xf32, #tpu.memory_space<vmem>>) target_semaphore(%run_scoped3A_107 : memref<!tpu.dma_semaphore, #tpu.memory_space<semaphore_mem>>)
      %dma_wait3A = arith.constant 0 : i32
      %dma_wait3A_111 = tpu.memref_slice %arg10[%add3A_105, %dma_wait3A] : memref<10000x128xf32, #tpu.memory_space<vmem_shared>> -> memref<125x128xf32, #tpu.memory_space<vmem_shared>>
      %dma_wait3A_112 = arith.constant 0 : i32
      %dma_wait3A_113 = tpu.memref_slice %arg10[%add3A_105, %dma_wait3A_112] : memref<10000x128xf32, #tpu.memory_space<vmem_shared>> -> memref<125x128xf32, #tpu.memory_space<vmem_shared>>
      tpu.wait_dma2 semaphore(%run_scoped3A_107 : memref<!tpu.dma_semaphore, #tpu.memory_space<semaphore_mem>>) src(%dma_wait3A_113 : memref<125x128xf32, #tpu.memory_space<vmem_shared>>) dst(%arg9 : memref<125x128xf32, #tpu.memory_space<vmem>>)
      tpu.yield
    }) : () -> ()
    %run_scoped3A_106 = arith.constant 4 : i32
    "tpu.region"() ({
      %run_scoped3A_107 = tpu.sem_alloc : memref<!tpu.dma_semaphore, #tpu.memory_space<semaphore_mem>>
      %dma_start3A = arith.constant 0 : i32
      %dma_start3A_108 = arith.constant 0 : i32
      %dma_start3A_109 = tpu.memref_slice %arg7[%arg0, %arg1, %run_scoped3A_106, %dma_start3A, %dma_start3A_108] : memref<2x16x5x125x128xf32, #tpu.memory_space<hbm>> -> memref<1x1x1x125x128xf32, #tpu.memory_space<hbm>>
      %dma_start3A_110 = tpu.memref_squeeze %dma_start3A_109 : memref<1x1x1x125x128xf32, #tpu.memory_space<hbm>> -> memref<125x128xf32, #tpu.memory_space<hbm>>
      %dma_start3A_111 = arith.constant 0 : i32
      %dma_start3A_112 = arith.constant 0 : i32
      %dma_start3A_113 = tpu.memref_slice %arg7[%arg0, %arg1, %run_scoped3A_106, %dma_start3A_111, %dma_start3A_112] : memref<2x16x5x125x128xf32, #tpu.memory_space<hbm>> -> memref<1x1x1x125x128xf32, #tpu.memory_space<hbm>>
      %dma_start3A_114 = tpu.memref_squeeze %dma_start3A_113 : memref<1x1x1x125x128xf32, #tpu.memory_space<hbm>> -> memref<125x128xf32, #tpu.memory_space<hbm>>
      tpu.enqueue_dma source(%arg9 : memref<125x128xf32, #tpu.memory_space<vmem>>) target(%dma_start3A_114 : memref<125x128xf32, #tpu.memory_space<hbm>>) target_semaphore(%run_scoped3A_107 : memref<!tpu.dma_semaphore, #tpu.memory_space<semaphore_mem>>)
      %dma_wait3A = arith.constant 0 : i32
      %dma_wait3A_115 = arith.constant 0 : i32
      %dma_wait3A_116 = tpu.memref_slice %arg7[%arg0, %arg1, %run_scoped3A_106, %dma_wait3A, %dma_wait3A_115] : memref<2x16x5x125x128xf32, #tpu.memory_space<hbm>> -> memref<1x1x1x125x128xf32, #tpu.memory_space<hbm>>
      %dma_wait3A_117 = tpu.memref_squeeze %dma_wait3A_116 : memref<1x1x1x125x128xf32, #tpu.memory_space<hbm>> -> memref<125x128xf32, #tpu.memory_space<hbm>>
      %dma_wait3A_118 = arith.constant 0 : i32
      %dma_wait3A_119 = arith.constant 0 : i32
      %dma_wait3A_120 = tpu.memref_slice %arg7[%arg0, %arg1, %run_scoped3A_106, %dma_wait3A_118, %dma_wait3A_119] : memref<2x16x5x125x128xf32, #tpu.memory_space<hbm>> -> memref<1x1x1x125x128xf32, #tpu.memory_space<hbm>>
      %dma_wait3A_121 = tpu.memref_squeeze %dma_wait3A_120 : memref<1x1x1x125x128xf32, #tpu.memory_space<hbm>> -> memref<125x128xf32, #tpu.memory_space<hbm>>
      tpu.wait_dma2 semaphore(%run_scoped3A_107 : memref<!tpu.dma_semaphore, #tpu.memory_space<semaphore_mem>>) src(%arg9 : memref<125x128xf32, #tpu.memory_space<vmem>>) dst(%dma_wait3A_121 : memref<125x128xf32, #tpu.memory_space<hbm>>)
      tpu.yield
    }) : () -> ()
    return
  }
}

#map = affine_map<(d0, d1) -> (0, 0)>
#map1 = affine_map<(d0, d1) -> (0, 0, 0)>
module attributes {stable_mosaic.version = 14 : i64} {
  func.func @_gather_body(%arg0: i32, %arg1: i32, %arg2: memref<10000x128xf32, #tpu.memory_space<hbm>>, %arg3: memref<32x80x125xi32, #tpu.memory_space<hbm>>, %arg4: memref<2560x125x128xf32, #tpu.memory_space<hbm>>, %arg5: memref<80x125xi32, #tpu.memory_space<vmem>>, %arg6: memref<125x128xf32, #tpu.memory_space<vmem>>) attributes {dimension_semantics = [#tpu.dimension_semantics<core_parallel>, #tpu.dimension_semantics<subcore_parallel>], iteration_bounds = array<i64: 2, 16>, scalar_prefetch = 0 : i64, scratch_operands = 2 : i64, tpu.core_type = #tpu.core_type<sc_vector_subcore>, window_params = [{transform_indices = #map}, {transform_indices = #map1}, {transform_indices = #map1}]} {
    %mul3A = arith.constant 16 : i32
    %mul3A_0 = arith.muli %arg0, %mul3A : i32
    %add3A = arith.addi %mul3A_0, %arg1 : i32
    "tpu.region"() ({
      %run_scoped3A = tpu.sem_alloc : memref<!tpu.dma_semaphore, #tpu.memory_space<semaphore_mem>>
      %dma_start3A = arith.constant 0 : i32
      %dma_start3A_8 = arith.constant 0 : i32
      %dma_start3A_9 = tpu.memref_slice %arg3[%add3A, %dma_start3A, %dma_start3A_8] : memref<32x80x125xi32, #tpu.memory_space<hbm>> -> memref<1x80x125xi32, #tpu.memory_space<hbm>>
      %dma_start3A_10 = tpu.memref_squeeze %dma_start3A_9 : memref<1x80x125xi32, #tpu.memory_space<hbm>> -> memref<80x125xi32, #tpu.memory_space<hbm>>
      %dma_start3A_11 = arith.constant 0 : i32
      %dma_start3A_12 = arith.constant 0 : i32
      %dma_start3A_13 = tpu.memref_slice %arg3[%add3A, %dma_start3A_11, %dma_start3A_12] : memref<32x80x125xi32, #tpu.memory_space<hbm>> -> memref<1x80x125xi32, #tpu.memory_space<hbm>>
      %dma_start3A_14 = tpu.memref_squeeze %dma_start3A_13 : memref<1x80x125xi32, #tpu.memory_space<hbm>> -> memref<80x125xi32, #tpu.memory_space<hbm>>
      tpu.enqueue_dma source(%dma_start3A_14 : memref<80x125xi32, #tpu.memory_space<hbm>>) target(%arg5 : memref<80x125xi32, #tpu.memory_space<vmem>>) target_semaphore(%run_scoped3A : memref<!tpu.dma_semaphore, #tpu.memory_space<semaphore_mem>>)
      %dma_wait3A = arith.constant 0 : i32
      %dma_wait3A_15 = arith.constant 0 : i32
      %dma_wait3A_16 = tpu.memref_slice %arg3[%add3A, %dma_wait3A, %dma_wait3A_15] : memref<32x80x125xi32, #tpu.memory_space<hbm>> -> memref<1x80x125xi32, #tpu.memory_space<hbm>>
      %dma_wait3A_17 = tpu.memref_squeeze %dma_wait3A_16 : memref<1x80x125xi32, #tpu.memory_space<hbm>> -> memref<80x125xi32, #tpu.memory_space<hbm>>
      %dma_wait3A_18 = arith.constant 0 : i32
      %dma_wait3A_19 = arith.constant 0 : i32
      %dma_wait3A_20 = tpu.memref_slice %arg3[%add3A, %dma_wait3A_18, %dma_wait3A_19] : memref<32x80x125xi32, #tpu.memory_space<hbm>> -> memref<1x80x125xi32, #tpu.memory_space<hbm>>
      %dma_wait3A_21 = tpu.memref_squeeze %dma_wait3A_20 : memref<1x80x125xi32, #tpu.memory_space<hbm>> -> memref<80x125xi32, #tpu.memory_space<hbm>>
      tpu.wait_dma2 semaphore(%run_scoped3A : memref<!tpu.dma_semaphore, #tpu.memory_space<semaphore_mem>>) src(%dma_wait3A_21 : memref<80x125xi32, #tpu.memory_space<hbm>>) dst(%arg5 : memref<80x125xi32, #tpu.memory_space<vmem>>)
      tpu.yield
    }) : () -> ()
    %mul3A_1 = arith.constant 80 : i32
    %mul3A_2 = arith.muli %add3A, %mul3A_1 : i32
    %scan3A = arith.constant 0 : i32
    %scan3A_3 = arith.constant 0 : i32
    %scan3A_4 = arith.constant 80 : i32
    %scan3A_5 = arith.addi %scan3A_3, %scan3A_4 : i32
    %scan3A_6 = arith.constant 1 : i32
    scf.for %scan3A_8 = %scan3A_3 to %scan3A_5 step %scan3A_6  : i32 {
      "tpu.region"() ({
        %run_scoped3A = tpu.sem_alloc : memref<!tpu.dma_semaphore, #tpu.memory_space<semaphore_mem>>
        %dma_start3A = arith.constant 0 : i32
        %dma_start3A_10 = tpu.memref_slice %arg5[%scan3A_8, %dma_start3A] : memref<80x125xi32, #tpu.memory_space<vmem>> -> memref<1x125xi32, #tpu.memory_space<vmem>>
        %dma_start3A_11 = tpu.memref_squeeze %dma_start3A_10 : memref<1x125xi32, #tpu.memory_space<vmem>> -> memref<125xi32, #tpu.memory_space<vmem>>
        %dma_start3A_12 = arith.constant 0 : i32
        %dma_start3A_13 = arith.constant 0 : i32
        %dma_start3A_14 = tpu.memref_slice %arg2[%dma_start3A_12, %dma_start3A_13] : memref<10000x128xf32, #tpu.memory_space<hbm>> -> memref<10000x128xf32, #tpu.memory_space<hbm>>
        tpu.enqueue_indirect_dma source(%dma_start3A_14 : memref<10000x128xf32, #tpu.memory_space<hbm>>) target(%arg6 : memref<125x128xf32, #tpu.memory_space<vmem>>) offsets(%dma_start3A_11 : memref<125xi32, #tpu.memory_space<vmem>>) semaphore(%run_scoped3A : memref<!tpu.dma_semaphore, #tpu.memory_space<semaphore_mem>>)
        %dma_wait3A = arith.constant 0 : i32
        %dma_wait3A_15 = tpu.memref_slice %arg5[%scan3A_8, %dma_wait3A] : memref<80x125xi32, #tpu.memory_space<vmem>> -> memref<1x125xi32, #tpu.memory_space<vmem>>
        %dma_wait3A_16 = tpu.memref_squeeze %dma_wait3A_15 : memref<1x125xi32, #tpu.memory_space<vmem>> -> memref<125xi32, #tpu.memory_space<vmem>>
        %dma_wait3A_17 = arith.constant 0 : i32
        %dma_wait3A_18 = arith.constant 0 : i32
        %dma_wait3A_19 = tpu.memref_slice %arg2[%dma_wait3A_17, %dma_wait3A_18] : memref<10000x128xf32, #tpu.memory_space<hbm>> -> memref<10000x128xf32, #tpu.memory_space<hbm>>
        tpu.wait_indirect_dma semaphore(%run_scoped3A : memref<!tpu.dma_semaphore, #tpu.memory_space<semaphore_mem>>) src(%dma_wait3A_19 : memref<10000x128xf32, #tpu.memory_space<hbm>>) dst(%arg6 : memref<125x128xf32, #tpu.memory_space<vmem>>)
        tpu.yield
      }) : () -> ()
      %add3A_9 = arith.addi %mul3A_2, %scan3A_8 : i32
      "tpu.region"() ({
        %run_scoped3A = tpu.sem_alloc : memref<!tpu.dma_semaphore, #tpu.memory_space<semaphore_mem>>
        %dma_start3A = arith.constant 0 : i32
        %dma_start3A_10 = arith.constant 0 : i32
        %dma_start3A_11 = tpu.memref_slice %arg4[%add3A_9, %dma_start3A, %dma_start3A_10] : memref<2560x125x128xf32, #tpu.memory_space<hbm>> -> memref<1x125x128xf32, #tpu.memory_space<hbm>>
        %dma_start3A_12 = tpu.memref_squeeze %dma_start3A_11 : memref<1x125x128xf32, #tpu.memory_space<hbm>> -> memref<125x128xf32, #tpu.memory_space<hbm>>
        %dma_start3A_13 = arith.constant 0 : i32
        %dma_start3A_14 = arith.constant 0 : i32
        %dma_start3A_15 = tpu.memref_slice %arg4[%add3A_9, %dma_start3A_13, %dma_start3A_14] : memref<2560x125x128xf32, #tpu.memory_space<hbm>> -> memref<1x125x128xf32, #tpu.memory_space<hbm>>
        %dma_start3A_16 = tpu.memref_squeeze %dma_start3A_15 : memref<1x125x128xf32, #tpu.memory_space<hbm>> -> memref<125x128xf32, #tpu.memory_space<hbm>>
        tpu.enqueue_dma source(%arg6 : memref<125x128xf32, #tpu.memory_space<vmem>>) target(%dma_start3A_16 : memref<125x128xf32, #tpu.memory_space<hbm>>) target_semaphore(%run_scoped3A : memref<!tpu.dma_semaphore, #tpu.memory_space<semaphore_mem>>)
        %dma_wait3A = arith.constant 0 : i32
        %dma_wait3A_17 = arith.constant 0 : i32
        %dma_wait3A_18 = tpu.memref_slice %arg4[%add3A_9, %dma_wait3A, %dma_wait3A_17] : memref<2560x125x128xf32, #tpu.memory_space<hbm>> -> memref<1x125x128xf32, #tpu.memory_space<hbm>>
        %dma_wait3A_19 = tpu.memref_squeeze %dma_wait3A_18 : memref<1x125x128xf32, #tpu.memory_space<hbm>> -> memref<125x128xf32, #tpu.memory_space<hbm>>
        %dma_wait3A_20 = arith.constant 0 : i32
        %dma_wait3A_21 = arith.constant 0 : i32
        %dma_wait3A_22 = tpu.memref_slice %arg4[%add3A_9, %dma_wait3A_20, %dma_wait3A_21] : memref<2560x125x128xf32, #tpu.memory_space<hbm>> -> memref<1x125x128xf32, #tpu.memory_space<hbm>>
        %dma_wait3A_23 = tpu.memref_squeeze %dma_wait3A_22 : memref<1x125x128xf32, #tpu.memory_space<hbm>> -> memref<125x128xf32, #tpu.memory_space<hbm>>
        tpu.wait_dma2 semaphore(%run_scoped3A : memref<!tpu.dma_semaphore, #tpu.memory_space<semaphore_mem>>) src(%arg6 : memref<125x128xf32, #tpu.memory_space<vmem>>) dst(%dma_wait3A_23 : memref<125x128xf32, #tpu.memory_space<hbm>>)
        tpu.yield
      }) : () -> ()
    }
    %scan3A_7 = arith.constant 80 : i32
    return
  }
}

module attributes {stable_mosaic.version = 14 : i64} {
  func.func @_contract_body(%arg0: i32, %arg1: memref<256x128xf32, #tpu.memory_space<vmem>>, %arg2: memref<1x256x1xi32, #tpu.memory_space<vmem>>, %arg3: memref<128x3840xbf16, #tpu.memory_space<vmem>>, %arg4: memref<512x32xf32, #tpu.memory_space<vmem>>, %arg5: memref<256x128xf32, #tpu.memory_space<vmem>>) attributes {dimension_semantics = [#tpu.dimension_semantics<arbitrary>], iteration_bounds = array<i64: 1250>, scalar_prefetch = 0 : i64, scratch_operands = 0 : i64, tpu.core_type = #tpu.core_type<tc>, window_params = [{transform_indices = @transform_0, window_bounds = array<i64: 256, 128>}, {transform_indices = @transform_1, window_bounds = array<i64: 1, 256, 1>}, {pipeline_mode = #tpu.pipeline_mode<synchronous>, transform_indices = @transform_2, window_bounds = array<i64: 128, 3840>}, {pipeline_mode = #tpu.pipeline_mode<synchronous>, transform_indices = @transform_3, window_bounds = array<i64: 512, 32>}, {transform_indices = @transform_4, window_bounds = array<i64: 256, 128>}]} {
    %get3A = arith.constant 0 : index
    %get3A_0 = arith.constant 0 : index
    %get3A_1 = vector.load %arg1[%get3A, %get3A_0] : memref<256x128xf32, #tpu.memory_space<vmem>>, vector<256x128xf32>
    %convert_element_type3A = arith.truncf %get3A_1 : vector<256x128xf32> to vector<256x128xbf16>
    %get3A_2 = arith.constant 0 : index
    %get3A_3 = arith.constant 0 : index
    %get3A_4 = arith.constant 0 : index
    %get3A_5 = vector.load %arg2[%get3A_2, %get3A_3, %get3A_4] : memref<1x256x1xi32, #tpu.memory_space<vmem>>, vector<1x256x1xi32>
    %get3A_6 = vector.shape_cast %get3A_5 : vector<1x256x1xi32> to vector<256x1xi32>
    %iota3A = tpu.iota {dimensions = array<i32: 1>} : vector<256x512xi32>
    %eq3A = vector.broadcast %get3A_6 : vector<256x1xi32> to vector<256x512xi32>
    %eq3A_7 = arith.cmpi eq, %eq3A, %iota3A : vector<256x512xi32>
    %convert_element_type3A_8 = arith.extui %eq3A_7 : vector<256x512xi1> to vector<256x512xi32>
    %convert_element_type3A_9 = arith.sitofp %convert_element_type3A_8 : vector<256x512xi32> to vector<256x512xf32>
    %get3A_10 = arith.constant 0 : index
    %get3A_11 = arith.constant 0 : index
    %get3A_12 = vector.load %arg4[%get3A_10, %get3A_11] : memref<512x32xf32, #tpu.memory_space<vmem>>, vector<512x32xf32>
    %dot_general3A = arith.constant dense<0.000000e+00> : vector<256x32xf32>
    %dot_general3A_13 = tpu.matmul %convert_element_type3A_9, %get3A_12, %dot_general3A {dimension_numbers = #tpu.dot_dimension_numbers<[1], [0], [0], [1], [0, 0, 1, 1], [], []>, transpose_lhs_hint = false} : vector<256x512xf32>, vector<512x32xf32>, vector<256x32xf32> -> vector<256x32xf32>
    %broadcast_in_dim3A = arith.constant 0.000000e+00 : f32
    %broadcast_in_dim3A_14 = vector.broadcast %broadcast_in_dim3A : f32 to vector<256x128xf32>
    %get3A_15 = arith.constant 0 : index
    %get3A_16 = arith.constant 0 : index
    %get3A_17 = vector.load %arg3[%get3A_15, %get3A_16] : memref<128x3840xbf16, #tpu.memory_space<vmem>>, vector<128x640xbf16>
    %dot_general3A_18 = arith.constant dense<0.000000e+00> : vector<256x640xf32>
    %dot_general3A_19 = tpu.matmul %convert_element_type3A, %get3A_17, %dot_general3A_18 {dimension_numbers = #tpu.dot_dimension_numbers<[1], [0], [0], [1], [0, 0, 1, 1], [], []>, transpose_lhs_hint = false} : vector<256x128xbf16>, vector<128x640xbf16>, vector<256x640xf32> -> vector<256x640xf32>
    %slice3A = vector.extract_strided_slice %dot_general3A_13 {offsets = [0, 0], sizes = [256, 1], strides = [1, 1]} : vector<256x32xf32> to vector<256x1xf32>
    %squeeze3A = vector.shape_cast %slice3A : vector<256x1xf32> to vector<256xf32>
    %broadcast_in_dim3A_20 = vector.shape_cast %squeeze3A : vector<256xf32> to vector<256x1xf32>
    %slice3A_21 = vector.extract_strided_slice %dot_general3A_19 {offsets = [0, 0], sizes = [256, 128], strides = [1, 1]} : vector<256x640xf32> to vector<256x128xf32>
    %mul3A = vector.broadcast %broadcast_in_dim3A_20 : vector<256x1xf32> to vector<256x128xf32>
    %mul3A_22 = arith.mulf %mul3A, %slice3A_21 : vector<256x128xf32>
    %add3A = arith.addf %broadcast_in_dim3A_14, %mul3A_22 : vector<256x128xf32>
    %slice3A_23 = vector.extract_strided_slice %dot_general3A_13 {offsets = [0, 1], sizes = [256, 1], strides = [1, 1]} : vector<256x32xf32> to vector<256x1xf32>
    %squeeze3A_24 = vector.shape_cast %slice3A_23 : vector<256x1xf32> to vector<256xf32>
    %broadcast_in_dim3A_25 = vector.shape_cast %squeeze3A_24 : vector<256xf32> to vector<256x1xf32>
    %slice3A_26 = vector.extract_strided_slice %dot_general3A_19 {offsets = [0, 128], sizes = [256, 128], strides = [1, 1]} : vector<256x640xf32> to vector<256x128xf32>
    %mul3A_27 = vector.broadcast %broadcast_in_dim3A_25 : vector<256x1xf32> to vector<256x128xf32>
    %mul3A_28 = arith.mulf %mul3A_27, %slice3A_26 : vector<256x128xf32>
    %add3A_29 = arith.addf %add3A, %mul3A_28 : vector<256x128xf32>
    %slice3A_30 = vector.extract_strided_slice %dot_general3A_13 {offsets = [0, 2], sizes = [256, 1], strides = [1, 1]} : vector<256x32xf32> to vector<256x1xf32>
    %squeeze3A_31 = vector.shape_cast %slice3A_30 : vector<256x1xf32> to vector<256xf32>
    %broadcast_in_dim3A_32 = vector.shape_cast %squeeze3A_31 : vector<256xf32> to vector<256x1xf32>
    %slice3A_33 = vector.extract_strided_slice %dot_general3A_19 {offsets = [0, 256], sizes = [256, 128], strides = [1, 1]} : vector<256x640xf32> to vector<256x128xf32>
    %mul3A_34 = vector.broadcast %broadcast_in_dim3A_32 : vector<256x1xf32> to vector<256x128xf32>
    %mul3A_35 = arith.mulf %mul3A_34, %slice3A_33 : vector<256x128xf32>
    %add3A_36 = arith.addf %add3A_29, %mul3A_35 : vector<256x128xf32>
    %slice3A_37 = vector.extract_strided_slice %dot_general3A_13 {offsets = [0, 3], sizes = [256, 1], strides = [1, 1]} : vector<256x32xf32> to vector<256x1xf32>
    %squeeze3A_38 = vector.shape_cast %slice3A_37 : vector<256x1xf32> to vector<256xf32>
    %broadcast_in_dim3A_39 = vector.shape_cast %squeeze3A_38 : vector<256xf32> to vector<256x1xf32>
    %slice3A_40 = vector.extract_strided_slice %dot_general3A_19 {offsets = [0, 384], sizes = [256, 128], strides = [1, 1]} : vector<256x640xf32> to vector<256x128xf32>
    %mul3A_41 = vector.broadcast %broadcast_in_dim3A_39 : vector<256x1xf32> to vector<256x128xf32>
    %mul3A_42 = arith.mulf %mul3A_41, %slice3A_40 : vector<256x128xf32>
    %add3A_43 = arith.addf %add3A_36, %mul3A_42 : vector<256x128xf32>
    %slice3A_44 = vector.extract_strided_slice %dot_general3A_13 {offsets = [0, 4], sizes = [256, 1], strides = [1, 1]} : vector<256x32xf32> to vector<256x1xf32>
    %squeeze3A_45 = vector.shape_cast %slice3A_44 : vector<256x1xf32> to vector<256xf32>
    %broadcast_in_dim3A_46 = vector.shape_cast %squeeze3A_45 : vector<256xf32> to vector<256x1xf32>
    %slice3A_47 = vector.extract_strided_slice %dot_general3A_19 {offsets = [0, 512], sizes = [256, 128], strides = [1, 1]} : vector<256x640xf32> to vector<256x128xf32>
    %mul3A_48 = vector.broadcast %broadcast_in_dim3A_46 : vector<256x1xf32> to vector<256x128xf32>
    %mul3A_49 = arith.mulf %mul3A_48, %slice3A_47 : vector<256x128xf32>
    %add3A_50 = arith.addf %add3A_43, %mul3A_49 : vector<256x128xf32>
    %get3A_51 = arith.constant 0 : index
    %get3A_52 = arith.constant 640 : index
    %get3A_53 = vector.load %arg3[%get3A_51, %get3A_52] : memref<128x3840xbf16, #tpu.memory_space<vmem>>, vector<128x640xbf16>
    %dot_general3A_54 = arith.constant dense<0.000000e+00> : vector<256x640xf32>
    %dot_general3A_55 = tpu.matmul %convert_element_type3A, %get3A_53, %dot_general3A_54 {dimension_numbers = #tpu.dot_dimension_numbers<[1], [0], [0], [1], [0, 0, 1, 1], [], []>, transpose_lhs_hint = false} : vector<256x128xbf16>, vector<128x640xbf16>, vector<256x640xf32> -> vector<256x640xf32>
    %slice3A_56 = vector.extract_strided_slice %dot_general3A_13 {offsets = [0, 5], sizes = [256, 1], strides = [1, 1]} : vector<256x32xf32> to vector<256x1xf32>
    %squeeze3A_57 = vector.shape_cast %slice3A_56 : vector<256x1xf32> to vector<256xf32>
    %broadcast_in_dim3A_58 = vector.shape_cast %squeeze3A_57 : vector<256xf32> to vector<256x1xf32>
    %slice3A_59 = vector.extract_strided_slice %dot_general3A_55 {offsets = [0, 0], sizes = [256, 128], strides = [1, 1]} : vector<256x640xf32> to vector<256x128xf32>
    %mul3A_60 = vector.broadcast %broadcast_in_dim3A_58 : vector<256x1xf32> to vector<256x128xf32>
    %mul3A_61 = arith.mulf %mul3A_60, %slice3A_59 : vector<256x128xf32>
    %add3A_62 = arith.addf %add3A_50, %mul3A_61 : vector<256x128xf32>
    %slice3A_63 = vector.extract_strided_slice %dot_general3A_13 {offsets = [0, 6], sizes = [256, 1], strides = [1, 1]} : vector<256x32xf32> to vector<256x1xf32>
    %squeeze3A_64 = vector.shape_cast %slice3A_63 : vector<256x1xf32> to vector<256xf32>
    %broadcast_in_dim3A_65 = vector.shape_cast %squeeze3A_64 : vector<256xf32> to vector<256x1xf32>
    %slice3A_66 = vector.extract_strided_slice %dot_general3A_55 {offsets = [0, 128], sizes = [256, 128], strides = [1, 1]} : vector<256x640xf32> to vector<256x128xf32>
    %mul3A_67 = vector.broadcast %broadcast_in_dim3A_65 : vector<256x1xf32> to vector<256x128xf32>
    %mul3A_68 = arith.mulf %mul3A_67, %slice3A_66 : vector<256x128xf32>
    %add3A_69 = arith.addf %add3A_62, %mul3A_68 : vector<256x128xf32>
    %slice3A_70 = vector.extract_strided_slice %dot_general3A_13 {offsets = [0, 7], sizes = [256, 1], strides = [1, 1]} : vector<256x32xf32> to vector<256x1xf32>
    %squeeze3A_71 = vector.shape_cast %slice3A_70 : vector<256x1xf32> to vector<256xf32>
    %broadcast_in_dim3A_72 = vector.shape_cast %squeeze3A_71 : vector<256xf32> to vector<256x1xf32>
    %slice3A_73 = vector.extract_strided_slice %dot_general3A_55 {offsets = [0, 256], sizes = [256, 128], strides = [1, 1]} : vector<256x640xf32> to vector<256x128xf32>
    %mul3A_74 = vector.broadcast %broadcast_in_dim3A_72 : vector<256x1xf32> to vector<256x128xf32>
    %mul3A_75 = arith.mulf %mul3A_74, %slice3A_73 : vector<256x128xf32>
    %add3A_76 = arith.addf %add3A_69, %mul3A_75 : vector<256x128xf32>
    %slice3A_77 = vector.extract_strided_slice %dot_general3A_13 {offsets = [0, 8], sizes = [256, 1], strides = [1, 1]} : vector<256x32xf32> to vector<256x1xf32>
    %squeeze3A_78 = vector.shape_cast %slice3A_77 : vector<256x1xf32> to vector<256xf32>
    %broadcast_in_dim3A_79 = vector.shape_cast %squeeze3A_78 : vector<256xf32> to vector<256x1xf32>
    %slice3A_80 = vector.extract_strided_slice %dot_general3A_55 {offsets = [0, 384], sizes = [256, 128], strides = [1, 1]} : vector<256x640xf32> to vector<256x128xf32>
    %mul3A_81 = vector.broadcast %broadcast_in_dim3A_79 : vector<256x1xf32> to vector<256x128xf32>
    %mul3A_82 = arith.mulf %mul3A_81, %slice3A_80 : vector<256x128xf32>
    %add3A_83 = arith.addf %add3A_76, %mul3A_82 : vector<256x128xf32>
    %slice3A_84 = vector.extract_strided_slice %dot_general3A_13 {offsets = [0, 9], sizes = [256, 1], strides = [1, 1]} : vector<256x32xf32> to vector<256x1xf32>
    %squeeze3A_85 = vector.shape_cast %slice3A_84 : vector<256x1xf32> to vector<256xf32>
    %broadcast_in_dim3A_86 = vector.shape_cast %squeeze3A_85 : vector<256xf32> to vector<256x1xf32>
    %slice3A_87 = vector.extract_strided_slice %dot_general3A_55 {offsets = [0, 512], sizes = [256, 128], strides = [1, 1]} : vector<256x640xf32> to vector<256x128xf32>
    %mul3A_88 = vector.broadcast %broadcast_in_dim3A_86 : vector<256x1xf32> to vector<256x128xf32>
    %mul3A_89 = arith.mulf %mul3A_88, %slice3A_87 : vector<256x128xf32>
    %add3A_90 = arith.addf %add3A_83, %mul3A_89 : vector<256x128xf32>
    %get3A_91 = arith.constant 0 : index
    %get3A_92 = arith.constant 1280 : index
    %get3A_93 = vector.load %arg3[%get3A_91, %get3A_92] : memref<128x3840xbf16, #tpu.memory_space<vmem>>, vector<128x640xbf16>
    %dot_general3A_94 = arith.constant dense<0.000000e+00> : vector<256x640xf32>
    %dot_general3A_95 = tpu.matmul %convert_element_type3A, %get3A_93, %dot_general3A_94 {dimension_numbers = #tpu.dot_dimension_numbers<[1], [0], [0], [1], [0, 0, 1, 1], [], []>, transpose_lhs_hint = false} : vector<256x128xbf16>, vector<128x640xbf16>, vector<256x640xf32> -> vector<256x640xf32>
    %slice3A_96 = vector.extract_strided_slice %dot_general3A_13 {offsets = [0, 10], sizes = [256, 1], strides = [1, 1]} : vector<256x32xf32> to vector<256x1xf32>
    %squeeze3A_97 = vector.shape_cast %slice3A_96 : vector<256x1xf32> to vector<256xf32>
    %broadcast_in_dim3A_98 = vector.shape_cast %squeeze3A_97 : vector<256xf32> to vector<256x1xf32>
    %slice3A_99 = vector.extract_strided_slice %dot_general3A_95 {offsets = [0, 0], sizes = [256, 128], strides = [1, 1]} : vector<256x640xf32> to vector<256x128xf32>
    %mul3A_100 = vector.broadcast %broadcast_in_dim3A_98 : vector<256x1xf32> to vector<256x128xf32>
    %mul3A_101 = arith.mulf %mul3A_100, %slice3A_99 : vector<256x128xf32>
    %add3A_102 = arith.addf %add3A_90, %mul3A_101 : vector<256x128xf32>
    %slice3A_103 = vector.extract_strided_slice %dot_general3A_13 {offsets = [0, 11], sizes = [256, 1], strides = [1, 1]} : vector<256x32xf32> to vector<256x1xf32>
    %squeeze3A_104 = vector.shape_cast %slice3A_103 : vector<256x1xf32> to vector<256xf32>
    %broadcast_in_dim3A_105 = vector.shape_cast %squeeze3A_104 : vector<256xf32> to vector<256x1xf32>
    %slice3A_106 = vector.extract_strided_slice %dot_general3A_95 {offsets = [0, 128], sizes = [256, 128], strides = [1, 1]} : vector<256x640xf32> to vector<256x128xf32>
    %mul3A_107 = vector.broadcast %broadcast_in_dim3A_105 : vector<256x1xf32> to vector<256x128xf32>
    %mul3A_108 = arith.mulf %mul3A_107, %slice3A_106 : vector<256x128xf32>
    %add3A_109 = arith.addf %add3A_102, %mul3A_108 : vector<256x128xf32>
    %slice3A_110 = vector.extract_strided_slice %dot_general3A_13 {offsets = [0, 12], sizes = [256, 1], strides = [1, 1]} : vector<256x32xf32> to vector<256x1xf32>
    %squeeze3A_111 = vector.shape_cast %slice3A_110 : vector<256x1xf32> to vector<256xf32>
    %broadcast_in_dim3A_112 = vector.shape_cast %squeeze3A_111 : vector<256xf32> to vector<256x1xf32>
    %slice3A_113 = vector.extract_strided_slice %dot_general3A_95 {offsets = [0, 256], sizes = [256, 128], strides = [1, 1]} : vector<256x640xf32> to vector<256x128xf32>
    %mul3A_114 = vector.broadcast %broadcast_in_dim3A_112 : vector<256x1xf32> to vector<256x128xf32>
    %mul3A_115 = arith.mulf %mul3A_114, %slice3A_113 : vector<256x128xf32>
    %add3A_116 = arith.addf %add3A_109, %mul3A_115 : vector<256x128xf32>
    %slice3A_117 = vector.extract_strided_slice %dot_general3A_13 {offsets = [0, 13], sizes = [256, 1], strides = [1, 1]} : vector<256x32xf32> to vector<256x1xf32>
    %squeeze3A_118 = vector.shape_cast %slice3A_117 : vector<256x1xf32> to vector<256xf32>
    %broadcast_in_dim3A_119 = vector.shape_cast %squeeze3A_118 : vector<256xf32> to vector<256x1xf32>
    %slice3A_120 = vector.extract_strided_slice %dot_general3A_95 {offsets = [0, 384], sizes = [256, 128], strides = [1, 1]} : vector<256x640xf32> to vector<256x128xf32>
    %mul3A_121 = vector.broadcast %broadcast_in_dim3A_119 : vector<256x1xf32> to vector<256x128xf32>
    %mul3A_122 = arith.mulf %mul3A_121, %slice3A_120 : vector<256x128xf32>
    %add3A_123 = arith.addf %add3A_116, %mul3A_122 : vector<256x128xf32>
    %slice3A_124 = vector.extract_strided_slice %dot_general3A_13 {offsets = [0, 14], sizes = [256, 1], strides = [1, 1]} : vector<256x32xf32> to vector<256x1xf32>
    %squeeze3A_125 = vector.shape_cast %slice3A_124 : vector<256x1xf32> to vector<256xf32>
    %broadcast_in_dim3A_126 = vector.shape_cast %squeeze3A_125 : vector<256xf32> to vector<256x1xf32>
    %slice3A_127 = vector.extract_strided_slice %dot_general3A_95 {offsets = [0, 512], sizes = [256, 128], strides = [1, 1]} : vector<256x640xf32> to vector<256x128xf32>
    %mul3A_128 = vector.broadcast %broadcast_in_dim3A_126 : vector<256x1xf32> to vector<256x128xf32>
    %mul3A_129 = arith.mulf %mul3A_128, %slice3A_127 : vector<256x128xf32>
    %add3A_130 = arith.addf %add3A_123, %mul3A_129 : vector<256x128xf32>
    %get3A_131 = arith.constant 0 : index
    %get3A_132 = arith.constant 1920 : index
    %get3A_133 = vector.load %arg3[%get3A_131, %get3A_132] : memref<128x3840xbf16, #tpu.memory_space<vmem>>, vector<128x640xbf16>
    %dot_general3A_134 = arith.constant dense<0.000000e+00> : vector<256x640xf32>
    %dot_general3A_135 = tpu.matmul %convert_element_type3A, %get3A_133, %dot_general3A_134 {dimension_numbers = #tpu.dot_dimension_numbers<[1], [0], [0], [1], [0, 0, 1, 1], [], []>, transpose_lhs_hint = false} : vector<256x128xbf16>, vector<128x640xbf16>, vector<256x640xf32> -> vector<256x640xf32>
    %slice3A_136 = vector.extract_strided_slice %dot_general3A_13 {offsets = [0, 15], sizes = [256, 1], strides = [1, 1]} : vector<256x32xf32> to vector<256x1xf32>
    %squeeze3A_137 = vector.shape_cast %slice3A_136 : vector<256x1xf32> to vector<256xf32>
    %broadcast_in_dim3A_138 = vector.shape_cast %squeeze3A_137 : vector<256xf32> to vector<256x1xf32>
    %slice3A_139 = vector.extract_strided_slice %dot_general3A_135 {offsets = [0, 0], sizes = [256, 128], strides = [1, 1]} : vector<256x640xf32> to vector<256x128xf32>
    %mul3A_140 = vector.broadcast %broadcast_in_dim3A_138 : vector<256x1xf32> to vector<256x128xf32>
    %mul3A_141 = arith.mulf %mul3A_140, %slice3A_139 : vector<256x128xf32>
    %add3A_142 = arith.addf %add3A_130, %mul3A_141 : vector<256x128xf32>
    %slice3A_143 = vector.extract_strided_slice %dot_general3A_13 {offsets = [0, 16], sizes = [256, 1], strides = [1, 1]} : vector<256x32xf32> to vector<256x1xf32>
    %squeeze3A_144 = vector.shape_cast %slice3A_143 : vector<256x1xf32> to vector<256xf32>
    %broadcast_in_dim3A_145 = vector.shape_cast %squeeze3A_144 : vector<256xf32> to vector<256x1xf32>
    %slice3A_146 = vector.extract_strided_slice %dot_general3A_135 {offsets = [0, 128], sizes = [256, 128], strides = [1, 1]} : vector<256x640xf32> to vector<256x128xf32>
    %mul3A_147 = vector.broadcast %broadcast_in_dim3A_145 : vector<256x1xf32> to vector<256x128xf32>
    %mul3A_148 = arith.mulf %mul3A_147, %slice3A_146 : vector<256x128xf32>
    %add3A_149 = arith.addf %add3A_142, %mul3A_148 : vector<256x128xf32>
    %slice3A_150 = vector.extract_strided_slice %dot_general3A_13 {offsets = [0, 17], sizes = [256, 1], strides = [1, 1]} : vector<256x32xf32> to vector<256x1xf32>
    %squeeze3A_151 = vector.shape_cast %slice3A_150 : vector<256x1xf32> to vector<256xf32>
    %broadcast_in_dim3A_152 = vector.shape_cast %squeeze3A_151 : vector<256xf32> to vector<256x1xf32>
    %slice3A_153 = vector.extract_strided_slice %dot_general3A_135 {offsets = [0, 256], sizes = [256, 128], strides = [1, 1]} : vector<256x640xf32> to vector<256x128xf32>
    %mul3A_154 = vector.broadcast %broadcast_in_dim3A_152 : vector<256x1xf32> to vector<256x128xf32>
    %mul3A_155 = arith.mulf %mul3A_154, %slice3A_153 : vector<256x128xf32>
    %add3A_156 = arith.addf %add3A_149, %mul3A_155 : vector<256x128xf32>
    %slice3A_157 = vector.extract_strided_slice %dot_general3A_13 {offsets = [0, 18], sizes = [256, 1], strides = [1, 1]} : vector<256x32xf32> to vector<256x1xf32>
    %squeeze3A_158 = vector.shape_cast %slice3A_157 : vector<256x1xf32> to vector<256xf32>
    %broadcast_in_dim3A_159 = vector.shape_cast %squeeze3A_158 : vector<256xf32> to vector<256x1xf32>
    %slice3A_160 = vector.extract_strided_slice %dot_general3A_135 {offsets = [0, 384], sizes = [256, 128], strides = [1, 1]} : vector<256x640xf32> to vector<256x128xf32>
    %mul3A_161 = vector.broadcast %broadcast_in_dim3A_159 : vector<256x1xf32> to vector<256x128xf32>
    %mul3A_162 = arith.mulf %mul3A_161, %slice3A_160 : vector<256x128xf32>
    %add3A_163 = arith.addf %add3A_156, %mul3A_162 : vector<256x128xf32>
    %slice3A_164 = vector.extract_strided_slice %dot_general3A_13 {offsets = [0, 19], sizes = [256, 1], strides = [1, 1]} : vector<256x32xf32> to vector<256x1xf32>
    %squeeze3A_165 = vector.shape_cast %slice3A_164 : vector<256x1xf32> to vector<256xf32>
    %broadcast_in_dim3A_166 = vector.shape_cast %squeeze3A_165 : vector<256xf32> to vector<256x1xf32>
    %slice3A_167 = vector.extract_strided_slice %dot_general3A_135 {offsets = [0, 512], sizes = [256, 128], strides = [1, 1]} : vector<256x640xf32> to vector<256x128xf32>
    %mul3A_168 = vector.broadcast %broadcast_in_dim3A_166 : vector<256x1xf32> to vector<256x128xf32>
    %mul3A_169 = arith.mulf %mul3A_168, %slice3A_167 : vector<256x128xf32>
    %add3A_170 = arith.addf %add3A_163, %mul3A_169 : vector<256x128xf32>
    %get3A_171 = arith.constant 0 : index
    %get3A_172 = arith.constant 2560 : index
    %get3A_173 = vector.load %arg3[%get3A_171, %get3A_172] : memref<128x3840xbf16, #tpu.memory_space<vmem>>, vector<128x640xbf16>
    %dot_general3A_174 = arith.constant dense<0.000000e+00> : vector<256x640xf32>
    %dot_general3A_175 = tpu.matmul %convert_element_type3A, %get3A_173, %dot_general3A_174 {dimension_numbers = #tpu.dot_dimension_numbers<[1], [0], [0], [1], [0, 0, 1, 1], [], []>, transpose_lhs_hint = false} : vector<256x128xbf16>, vector<128x640xbf16>, vector<256x640xf32> -> vector<256x640xf32>
    %slice3A_176 = vector.extract_strided_slice %dot_general3A_13 {offsets = [0, 20], sizes = [256, 1], strides = [1, 1]} : vector<256x32xf32> to vector<256x1xf32>
    %squeeze3A_177 = vector.shape_cast %slice3A_176 : vector<256x1xf32> to vector<256xf32>
    %broadcast_in_dim3A_178 = vector.shape_cast %squeeze3A_177 : vector<256xf32> to vector<256x1xf32>
    %slice3A_179 = vector.extract_strided_slice %dot_general3A_175 {offsets = [0, 0], sizes = [256, 128], strides = [1, 1]} : vector<256x640xf32> to vector<256x128xf32>
    %mul3A_180 = vector.broadcast %broadcast_in_dim3A_178 : vector<256x1xf32> to vector<256x128xf32>
    %mul3A_181 = arith.mulf %mul3A_180, %slice3A_179 : vector<256x128xf32>
    %add3A_182 = arith.addf %add3A_170, %mul3A_181 : vector<256x128xf32>
    %slice3A_183 = vector.extract_strided_slice %dot_general3A_13 {offsets = [0, 21], sizes = [256, 1], strides = [1, 1]} : vector<256x32xf32> to vector<256x1xf32>
    %squeeze3A_184 = vector.shape_cast %slice3A_183 : vector<256x1xf32> to vector<256xf32>
    %broadcast_in_dim3A_185 = vector.shape_cast %squeeze3A_184 : vector<256xf32> to vector<256x1xf32>
    %slice3A_186 = vector.extract_strided_slice %dot_general3A_175 {offsets = [0, 128], sizes = [256, 128], strides = [1, 1]} : vector<256x640xf32> to vector<256x128xf32>
    %mul3A_187 = vector.broadcast %broadcast_in_dim3A_185 : vector<256x1xf32> to vector<256x128xf32>
    %mul3A_188 = arith.mulf %mul3A_187, %slice3A_186 : vector<256x128xf32>
    %add3A_189 = arith.addf %add3A_182, %mul3A_188 : vector<256x128xf32>
    %slice3A_190 = vector.extract_strided_slice %dot_general3A_13 {offsets = [0, 22], sizes = [256, 1], strides = [1, 1]} : vector<256x32xf32> to vector<256x1xf32>
    %squeeze3A_191 = vector.shape_cast %slice3A_190 : vector<256x1xf32> to vector<256xf32>
    %broadcast_in_dim3A_192 = vector.shape_cast %squeeze3A_191 : vector<256xf32> to vector<256x1xf32>
    %slice3A_193 = vector.extract_strided_slice %dot_general3A_175 {offsets = [0, 256], sizes = [256, 128], strides = [1, 1]} : vector<256x640xf32> to vector<256x128xf32>
    %mul3A_194 = vector.broadcast %broadcast_in_dim3A_192 : vector<256x1xf32> to vector<256x128xf32>
    %mul3A_195 = arith.mulf %mul3A_194, %slice3A_193 : vector<256x128xf32>
    %add3A_196 = arith.addf %add3A_189, %mul3A_195 : vector<256x128xf32>
    %slice3A_197 = vector.extract_strided_slice %dot_general3A_13 {offsets = [0, 23], sizes = [256, 1], strides = [1, 1]} : vector<256x32xf32> to vector<256x1xf32>
    %squeeze3A_198 = vector.shape_cast %slice3A_197 : vector<256x1xf32> to vector<256xf32>
    %broadcast_in_dim3A_199 = vector.shape_cast %squeeze3A_198 : vector<256xf32> to vector<256x1xf32>
    %slice3A_200 = vector.extract_strided_slice %dot_general3A_175 {offsets = [0, 384], sizes = [256, 128], strides = [1, 1]} : vector<256x640xf32> to vector<256x128xf32>
    %mul3A_201 = vector.broadcast %broadcast_in_dim3A_199 : vector<256x1xf32> to vector<256x128xf32>
    %mul3A_202 = arith.mulf %mul3A_201, %slice3A_200 : vector<256x128xf32>
    %add3A_203 = arith.addf %add3A_196, %mul3A_202 : vector<256x128xf32>
    %slice3A_204 = vector.extract_strided_slice %dot_general3A_13 {offsets = [0, 24], sizes = [256, 1], strides = [1, 1]} : vector<256x32xf32> to vector<256x1xf32>
    %squeeze3A_205 = vector.shape_cast %slice3A_204 : vector<256x1xf32> to vector<256xf32>
    %broadcast_in_dim3A_206 = vector.shape_cast %squeeze3A_205 : vector<256xf32> to vector<256x1xf32>
    %slice3A_207 = vector.extract_strided_slice %dot_general3A_175 {offsets = [0, 512], sizes = [256, 128], strides = [1, 1]} : vector<256x640xf32> to vector<256x128xf32>
    %mul3A_208 = vector.broadcast %broadcast_in_dim3A_206 : vector<256x1xf32> to vector<256x128xf32>
    %mul3A_209 = arith.mulf %mul3A_208, %slice3A_207 : vector<256x128xf32>
    %add3A_210 = arith.addf %add3A_203, %mul3A_209 : vector<256x128xf32>
    %get3A_211 = arith.constant 0 : index
    %get3A_212 = arith.constant 3200 : index
    %get3A_213 = vector.load %arg3[%get3A_211, %get3A_212] : memref<128x3840xbf16, #tpu.memory_space<vmem>>, vector<128x640xbf16>
    %dot_general3A_214 = arith.constant dense<0.000000e+00> : vector<256x640xf32>
    %dot_general3A_215 = tpu.matmul %convert_element_type3A, %get3A_213, %dot_general3A_214 {dimension_numbers = #tpu.dot_dimension_numbers<[1], [0], [0], [1], [0, 0, 1, 1], [], []>, transpose_lhs_hint = false} : vector<256x128xbf16>, vector<128x640xbf16>, vector<256x640xf32> -> vector<256x640xf32>
    %slice3A_216 = vector.extract_strided_slice %dot_general3A_13 {offsets = [0, 25], sizes = [256, 1], strides = [1, 1]} : vector<256x32xf32> to vector<256x1xf32>
    %squeeze3A_217 = vector.shape_cast %slice3A_216 : vector<256x1xf32> to vector<256xf32>
    %broadcast_in_dim3A_218 = vector.shape_cast %squeeze3A_217 : vector<256xf32> to vector<256x1xf32>
    %slice3A_219 = vector.extract_strided_slice %dot_general3A_215 {offsets = [0, 0], sizes = [256, 128], strides = [1, 1]} : vector<256x640xf32> to vector<256x128xf32>
    %mul3A_220 = vector.broadcast %broadcast_in_dim3A_218 : vector<256x1xf32> to vector<256x128xf32>
    %mul3A_221 = arith.mulf %mul3A_220, %slice3A_219 : vector<256x128xf32>
    %add3A_222 = arith.addf %add3A_210, %mul3A_221 : vector<256x128xf32>
    %slice3A_223 = vector.extract_strided_slice %dot_general3A_13 {offsets = [0, 26], sizes = [256, 1], strides = [1, 1]} : vector<256x32xf32> to vector<256x1xf32>
    %squeeze3A_224 = vector.shape_cast %slice3A_223 : vector<256x1xf32> to vector<256xf32>
    %broadcast_in_dim3A_225 = vector.shape_cast %squeeze3A_224 : vector<256xf32> to vector<256x1xf32>
    %slice3A_226 = vector.extract_strided_slice %dot_general3A_215 {offsets = [0, 128], sizes = [256, 128], strides = [1, 1]} : vector<256x640xf32> to vector<256x128xf32>
    %mul3A_227 = vector.broadcast %broadcast_in_dim3A_225 : vector<256x1xf32> to vector<256x128xf32>
    %mul3A_228 = arith.mulf %mul3A_227, %slice3A_226 : vector<256x128xf32>
    %add3A_229 = arith.addf %add3A_222, %mul3A_228 : vector<256x128xf32>
    %slice3A_230 = vector.extract_strided_slice %dot_general3A_13 {offsets = [0, 27], sizes = [256, 1], strides = [1, 1]} : vector<256x32xf32> to vector<256x1xf32>
    %squeeze3A_231 = vector.shape_cast %slice3A_230 : vector<256x1xf32> to vector<256xf32>
    %broadcast_in_dim3A_232 = vector.shape_cast %squeeze3A_231 : vector<256xf32> to vector<256x1xf32>
    %slice3A_233 = vector.extract_strided_slice %dot_general3A_215 {offsets = [0, 256], sizes = [256, 128], strides = [1, 1]} : vector<256x640xf32> to vector<256x128xf32>
    %mul3A_234 = vector.broadcast %broadcast_in_dim3A_232 : vector<256x1xf32> to vector<256x128xf32>
    %mul3A_235 = arith.mulf %mul3A_234, %slice3A_233 : vector<256x128xf32>
    %add3A_236 = arith.addf %add3A_229, %mul3A_235 : vector<256x128xf32>
    %slice3A_237 = vector.extract_strided_slice %dot_general3A_13 {offsets = [0, 28], sizes = [256, 1], strides = [1, 1]} : vector<256x32xf32> to vector<256x1xf32>
    %squeeze3A_238 = vector.shape_cast %slice3A_237 : vector<256x1xf32> to vector<256xf32>
    %broadcast_in_dim3A_239 = vector.shape_cast %squeeze3A_238 : vector<256xf32> to vector<256x1xf32>
    %slice3A_240 = vector.extract_strided_slice %dot_general3A_215 {offsets = [0, 384], sizes = [256, 128], strides = [1, 1]} : vector<256x640xf32> to vector<256x128xf32>
    %mul3A_241 = vector.broadcast %broadcast_in_dim3A_239 : vector<256x1xf32> to vector<256x128xf32>
    %mul3A_242 = arith.mulf %mul3A_241, %slice3A_240 : vector<256x128xf32>
    %add3A_243 = arith.addf %add3A_236, %mul3A_242 : vector<256x128xf32>
    %slice3A_244 = vector.extract_strided_slice %dot_general3A_13 {offsets = [0, 29], sizes = [256, 1], strides = [1, 1]} : vector<256x32xf32> to vector<256x1xf32>
    %squeeze3A_245 = vector.shape_cast %slice3A_244 : vector<256x1xf32> to vector<256xf32>
    %broadcast_in_dim3A_246 = vector.shape_cast %squeeze3A_245 : vector<256xf32> to vector<256x1xf32>
    %slice3A_247 = vector.extract_strided_slice %dot_general3A_215 {offsets = [0, 512], sizes = [256, 128], strides = [1, 1]} : vector<256x640xf32> to vector<256x128xf32>
    %mul3A_248 = vector.broadcast %broadcast_in_dim3A_246 : vector<256x1xf32> to vector<256x128xf32>
    %mul3A_249 = arith.mulf %mul3A_248, %slice3A_247 : vector<256x128xf32>
    %add3A_250 = arith.addf %add3A_243, %mul3A_249 : vector<256x128xf32>
    %swap3A = arith.constant 0 : index
    %swap3A_251 = arith.constant 0 : index
    %swap3A_252 = vector.load %arg5[%swap3A, %swap3A_251] : memref<256x128xf32, #tpu.memory_space<vmem>>, vector<256x128xf32>
    tpu.vector_store %arg5[%swap3A, %swap3A_251], %add3A_250 {strides = array<i32>} : memref<256x128xf32, #tpu.memory_space<vmem>>, vector<256x128xf32>,
    return
  }
  func.func @transform_0(%arg0: i32) -> (i32, i32) {
    %c0_i32 = arith.constant 0 : i32
    %c0_i32_0 = arith.constant 0 : i32
    return %arg0, %c0_i32 : i32, i32
  }
  func.func @transform_1(%arg0: i32) -> (i32, i32, i32) {
    %c0_i32 = arith.constant 0 : i32
    %c0_i32_0 = arith.constant 0 : i32
    %c0_i32_1 = arith.constant 0 : i32
    return %arg0, %c0_i32, %c0_i32_0 : i32, i32, i32
  }
  func.func @transform_2(%arg0: i32) -> (i32, i32) {
    %c0_i32 = arith.constant 0 : i32
    %c0_i32_0 = arith.constant 0 : i32
    %c0_i32_1 = arith.constant 0 : i32
    return %c0_i32, %c0_i32_0 : i32, i32
  }
  func.func @transform_3(%arg0: i32) -> (i32, i32) {
    %c0_i32 = arith.constant 0 : i32
    %c0_i32_0 = arith.constant 0 : i32
    %c0_i32_1 = arith.constant 0 : i32
    return %c0_i32, %c0_i32_0 : i32, i32
  }
  func.func @transform_4(%arg0: i32) -> (i32, i32) {
    %c0_i32 = arith.constant 0 : i32
    %c0_i32_0 = arith.constant 0 : i32
    return %arg0, %c0_i32 : i32, i32
  }
}

module attributes {stable_mosaic.version = 14 : i64} {
  func.func @_finish_body(%arg0: i32, %arg1: memref<2000x128xf32, #tpu.memory_space<vmem>>, %arg2: memref<2x2000x128xf32, #tpu.memory_space<vmem>>, %arg3: memref<2x2000x128xf32, #tpu.memory_space<vmem>>, %arg4: memref<128x128xf32, #tpu.memory_space<vmem>>, %arg5: memref<2000x128xf32, #tpu.memory_space<vmem>>) attributes {dimension_semantics = [#tpu.dimension_semantics<arbitrary>], iteration_bounds = array<i64: 5>, scalar_prefetch = 0 : i64, scratch_operands = 0 : i64, tpu.core_type = #tpu.core_type<tc>, window_params = [{transform_indices = @transform_0, window_bounds = array<i64: 2000, 128>}, {transform_indices = @transform_1, window_bounds = array<i64: 2, 2000, 128>}, {transform_indices = @transform_2, window_bounds = array<i64: 2, 2000, 128>}, {pipeline_mode = #tpu.pipeline_mode<synchronous>, transform_indices = @transform_3, window_bounds = array<i64: 128, 128>}, {transform_indices = @transform_4, window_bounds = array<i64: 2000, 128>}]} {
    %get3A = arith.constant 0 : index
    %get3A_0 = arith.constant 0 : index
    %get3A_1 = arith.constant 0 : index
    %get3A_2 = vector.load %arg2[%get3A, %get3A_0, %get3A_1] : memref<2x2000x128xf32, #tpu.memory_space<vmem>>, vector<1x2000x128xf32>
    %get3A_3 = vector.shape_cast %get3A_2 : vector<1x2000x128xf32> to vector<2000x128xf32>
    %get3A_4 = arith.constant 1 : index
    %get3A_5 = arith.constant 0 : index
    %get3A_6 = arith.constant 0 : index
    %get3A_7 = vector.load %arg2[%get3A_4, %get3A_5, %get3A_6] : memref<2x2000x128xf32, #tpu.memory_space<vmem>>, vector<1x2000x128xf32>
    %get3A_8 = vector.shape_cast %get3A_7 : vector<1x2000x128xf32> to vector<2000x128xf32>
    %add3A = arith.addf %get3A_3, %get3A_8 : vector<2000x128xf32>
    %get3A_9 = arith.constant 0 : index
    %get3A_10 = arith.constant 0 : index
    %get3A_11 = arith.constant 0 : index
    %get3A_12 = vector.load %arg3[%get3A_9, %get3A_10, %get3A_11] : memref<2x2000x128xf32, #tpu.memory_space<vmem>>, vector<1x2000x1xf32>
    %get3A_13 = vector.shape_cast %get3A_12 : vector<1x2000x1xf32> to vector<2000x1xf32>
    %get3A_14 = arith.constant 1 : index
    %get3A_15 = arith.constant 0 : index
    %get3A_16 = arith.constant 0 : index
    %get3A_17 = vector.load %arg3[%get3A_14, %get3A_15, %get3A_16] : memref<2x2000x128xf32, #tpu.memory_space<vmem>>, vector<1x2000x1xf32>
    %get3A_18 = vector.shape_cast %get3A_17 : vector<1x2000x1xf32> to vector<2000x1xf32>
    %add3A_19 = arith.addf %get3A_13, %get3A_18 : vector<2000x1xf32>
    %max3A = arith.constant 1.000000e+00 : f32
    %max3A_20 = vector.broadcast %max3A : f32 to vector<2000x1xf32>
    %max3A_21 = arith.maximumf %add3A_19, %max3A_20 : vector<2000x1xf32>
    %div3A = arith.constant 1.000000e+00 : f32
    %div3A_22 = vector.broadcast %div3A : f32 to vector<2000x1xf32>
    %div3A_23 = arith.divf %div3A_22, %max3A_21 : vector<2000x1xf32>
    %get3A_24 = arith.constant 0 : index
    %get3A_25 = arith.constant 0 : index
    %get3A_26 = vector.load %arg1[%get3A_24, %get3A_25] : memref<2000x128xf32, #tpu.memory_space<vmem>>, vector<2000x128xf32>
    %get3A_27 = arith.constant 0 : index
    %get3A_28 = arith.constant 0 : index
    %get3A_29 = vector.load %arg4[%get3A_27, %get3A_28] : memref<128x128xf32, #tpu.memory_space<vmem>>, vector<128x128xf32>
    %dot_general3A = arith.constant dense<0.000000e+00> : vector<2000x128xf32>
    %dot_general3A_30 = tpu.matmul %get3A_26, %get3A_29, %dot_general3A {dimension_numbers = #tpu.dot_dimension_numbers<[1], [0], [0], [1], [0, 0, 1, 1], [], []>, transpose_lhs_hint = false} : vector<2000x128xf32>, vector<128x128xf32>, vector<2000x128xf32> -> vector<2000x128xf32>
    %mul3A = vector.broadcast %div3A_23 : vector<2000x1xf32> to vector<2000x128xf32>
    %mul3A_31 = arith.mulf %add3A, %mul3A : vector<2000x128xf32>
    %add3A_32 = arith.addf %mul3A_31, %dot_general3A_30 : vector<2000x128xf32>
    %max3A_33 = arith.constant 0.000000e+00 : f32
    %max3A_34 = vector.broadcast %max3A_33 : f32 to vector<2000x128xf32>
    %max3A_35 = arith.maximumf %add3A_32, %max3A_34 : vector<2000x128xf32>
    %swap3A = arith.constant 0 : index
    %swap3A_36 = arith.constant 0 : index
    %swap3A_37 = vector.load %arg5[%swap3A, %swap3A_36] : memref<2000x128xf32, #tpu.memory_space<vmem>>, vector<2000x128xf32>
    tpu.vector_store %arg5[%swap3A, %swap3A_36], %max3A_35 {strides = array<i32>} : memref<2000x128xf32, #tpu.memory_space<vmem>>, vector<2000x128xf32>,
    return
  }
  func.func @transform_0(%arg0: i32) -> (i32, i32) {
    %c0_i32 = arith.constant 0 : i32
    %c0_i32_0 = arith.constant 0 : i32
    return %arg0, %c0_i32 : i32, i32
  }
  func.func @transform_1(%arg0: i32) -> (i32, i32, i32) {
    %c0_i32 = arith.constant 0 : i32
    %c0_i32_0 = arith.constant 0 : i32
    %c0_i32_1 = arith.constant 0 : i32
    return %c0_i32, %arg0, %c0_i32_0 : i32, i32, i32
  }
  func.func @transform_2(%arg0: i32) -> (i32, i32, i32) {
    %c0_i32 = arith.constant 0 : i32
    %c0_i32_0 = arith.constant 0 : i32
    %c0_i32_1 = arith.constant 0 : i32
    return %c0_i32, %arg0, %c0_i32_0 : i32, i32, i32
  }
  func.func @transform_3(%arg0: i32) -> (i32, i32) {
    %c0_i32 = arith.constant 0 : i32
    %c0_i32_0 = arith.constant 0 : i32
    %c0_i32_1 = arith.constant 0 : i32
    return %c0_i32, %c0_i32_0 : i32, i32
  }
  func.func @transform_4(%arg0: i32) -> (i32, i32) {
    %c0_i32 = arith.constant 0 : i32
    %c0_i32_0 = arith.constant 0 : i32
    return %arg0, %c0_i32 : i32, i32
  }
}

</mosaic_0001>

<sc_bundles>
// kernel: kernel.6.cloned.1.call-start
scs
__scs_entry_jumppad:
0x0: {  	(pc) =	sbr.rel $0x88, $3  }
0x1: {  	(tag) =	ssettag $0x0;
	lr =	simm.s32 $0x1  }
0x2: {  	[smem:$0x3F9B] =	sst lr;
	_ =	strace $0xD0000000  }
0x3: {  	_ = 	snop  }
0x4: {  	_ = 	snop  }
0x5: {  	_ = 	snop  }
0x6: {  	_ = 	snop  }
0x7: {  	_ = 	snop  }
__scs_overlays_trampoline_lowered:
0x8: {  	[smem:$0x3FAA] =	sst s0  }
0x9: {  	[smem:$0x3FAB] =	sst s1  }
0xa: {  	[smem:$0x3FAC] =	sst s2  }
0xb: {  	[smem:$0x3FAD] =	sst s3  }
0xc: {  	[smem:$0x3FAE] =	sst s4  }
0xd: {  	[smem:$0x3FAF] =	sst s5  }
0xe: {  	[smem:$0x3FB0] =	sst s6  }
0xf: {  	[smem:$0x3FB1] =	sst s7  }
0x10: {  	[smem:$0x3FB2] =	sst s8  }
0x11: {  	[smem:$0x3FB3] =	sst s9;
	s0 =	simm.s32 @!p0 $0x0  }
0x12: {  	s1 =	sld [smem:$0x3F99];
	s0 =	simm.s32 @p0 $0x1  }
0x13: {  	[smem:$0x3FB4] =	sst s0;
	s0 =	simm.s32 @!p1 $0x0  }
0x14: {  	s2 =	sld [smem:$0x3F98];
	s0 =	simm.s32 @p1 $0x1  }
0x15: {  	[smem:$0x3FB5] =	sst s0;
	s0 =	simm.s32 @!p2 $0x0  }
0x16: {  	s3 =	sld [smem:$0x3FDB];
	s0 =	simm.s32 @p2 $0x1  }
0x17: {  	s4 =	simm.s32 $0x1BF5;
	[smem:$0x3FB7] =	sst s0  }
0x18: {  	s0 =	sld [smem:$0x3F9A];
	_ =	swait.ge [sflag:s4], $0x0  }
0x19: {  	s7 =	sld [smem:$0x3F9B]  }
0x1a: {  	s8 =	sadd.s32 $0xFFFFE003, lr  }
0x1b: {  	s9 =	sadd.s32 $0xFFFFFEF7, lr;
	s5 =	simm.s32 $0xFFFFFFFF;
	p2 =	slt.u32 s8, $0xFFFFF086  }
0x1c: {  	p1 =	slt.u32 s9, $0xF7A;
	s5 =	simm.s32 @!p2 $0x0  }
0x1d: {  	s5 =	simm.s32 @p1 $0x1;
	p0 =	seq.s32 s7, s2  }
0x1e: {  	s7 =	smul.u32 @!p0 $0xF7A, s2;
	p2 =	seq.s32 @!p0 s5, $0x0  }
0x1f: {  	s9 =	smul.u32 $0xF7A, s1;
	s8 =	simm.s32 @!p0 $0x1BF5;
	p2 =	por !p2, p0  }
0x20: {  	[sflag:s8] =	ssyncset.s32 @!p0 $0xFFFFF086;
	s6 =	sadd.s32 @!p0 s3, s7;
	s7 =	simm.s32 @!p0 $0x108  }
0x21: {  	s3 =	sadd.s32 s3, s9;
	s6 =	sadd.s32 @!p0 $0x88, s6;
	s7 =	simm.s32 @p2 $0x1082  }
0x22: {  	[simem:s7], [sflag:s8] =	dma.local @!p0 [hbm:s6], $0xF7A  }
0x23: {  	s9 =	sor.u32 $0xD0000000, s2;
	s6 =	simm.s32 $0x108;
	_ =	swait.ge @!p0 [sflag:s8], $0x0  }
0x24: {  	s3 =	sadd.s32 $0x88, s3;
	s6 =	simm.s32 @!p1 $0x1082;
	[sflag:s4] =	ssyncset.s32 $0xFFFFF086  }
0x25: {  	[simem:s6], [sflag:s4] =	dma.local [hbm:s3], $0xF7A  }
0x26: {  	[smem:$0x3F9B] =	sst s1;
	(tag) =	ssettag s2;
	_ =	strace s9  }
0x27: {  	s1 =	sld [smem:$0x3FAB]  }
0x28: {  	s2 =	sld [smem:$0x3FAC]  }
0x29: {  	s4 =	sld [smem:$0x3FAE]  }
0x2a: {  	p0 =	seq.s32 s5, $0x0;
	s5 =	sld [smem:$0x3FAF]  }
0x2b: {  	s6 =	sld [smem:$0x3FB0]  }
0x2c: {  	s7 =	sld [smem:$0x3FB1]  }
0x2d: {  	s3 =	simm.s32 $0x108;
	s8 =	sld [smem:$0x3FB2]  }
0x2e: {  	s3 =	simm.s32 @!p0 $0x1082;
	s9 =	sld [smem:$0x3FB3]  }
0x2f: {  	lr =	sadd.s32 s0, s3;
	s0 =	sld [smem:$0x3FAA]  }
0x30: {  	s3 =	sld [smem:$0x3FAD]  }
0x31: {  	[smem:$0x3FB6] =	sst s10  }
0x32: {  	s10 =	sld [smem:$0x3FB4];
	_ =	sdelay $0x3  }
0x33: {  	p0 =	seq.s32 s10, $0x1;
	s10 =	sld [smem:$0x3FB6];
	_ =	sdelay $0x3  }
0x34: {  	[smem:$0x3FB6] =	sst s10  }
0x35: {  	s10 =	sld [smem:$0x3FB5];
	_ =	sdelay $0x3  }
0x36: {  	p1 =	seq.s32 s10, $0x1;
	s10 =	sld [smem:$0x3FB6];
	_ =	sdelay $0x3  }
0x37: {  	[smem:$0x3FB6] =	sst s10  }
0x38: {  	s10 =	sld [smem:$0x3FB7]  }
0x39: {  	_ = 	snop;
	(pc) =	sbr.ind lr, $3  }
0x3a: {  	_ = 	snop  }
0x3b: {  	_ = 	snop  }
0x3c: {  	p2 =	seq.s32 s10, $0x1;
	s10 =	sld [smem:$0x3FB6]  }
0x3d: {  	_ =	shalt  }
0x3e: {  	_ =	shalt  }
0x3f: {  	_ =	shalt  }
0x40: {  	_ =	shalt  }
0x41: {  	_ =	shalt  }
0x42: {  	_ =	shalt  }
0x43: {  	_ =	shalt  }
0x44: {  	_ =	shalt  }
0x45: {  	_ =	shalt  }
0x46: {  	_ =	shalt  }
0x47: {  	_ =	shalt  }
0x48: {  	_ =	shalt  }
0x49: {  	_ =	shalt  }
0x4a: {  	_ =	shalt  }
0x4b: {  	_ =	shalt  }
0x4c: {  	_ =	shalt  }
0x4d: {  	_ =	shalt  }
0x4e: {  	_ =	shalt  }
0x4f: {  	_ =	shalt  }
0x50: {  	_ =	shalt  }
0x51: {  	_ =	shalt  }
0x52: {  	_ =	shalt  }
0x53: {  	_ =	shalt  }
0x54: {  	_ =	shalt  }
0x55: {  	_ =	shalt  }
0x56: {  	_ =	shalt  }
0x57: {  	_ =	shalt  }
0x58: {  	_ =	shalt  }
0x59: {  	_ =	shalt  }
0x5a: {  	_ =	shalt  }
0x5b: {  	_ =	shalt  }
0x5c: {  	_ =	shalt  }
0x5d: {  	_ =	shalt  }
0x5e: {  	_ =	shalt  }
0x5f: {  	_ =	shalt  }
0x60: {  	_ =	shalt  }
0x61: {  	_ =	shalt  }
0x62: {  	_ =	shalt  }
0x63: {  	_ =	shalt  }
0x64: {  	_ =	shalt  }
0x65: {  	_ =	shalt  }
0x66: {  	_ =	shalt  }
0x67: {  	_ =	shalt  }
0x68: {  	_ =	shalt  }
0x69: {  	_ =	shalt  }
0x6a: {  	_ =	shalt  }
0x6b: {  	_ =	shalt  }
0x6c: {  	_ =	shalt  }
0x6d: {  	_ =	shalt  }
0x6e: {  	_ =	shalt  }
0x6f: {  	_ =	shalt  }
0x70: {  	_ =	shalt  }
0x71: {  	_ =	shalt  }
0x72: {  	_ =	shalt  }
0x73: {  	_ =	shalt  }
0x74: {  	_ =	shalt  }
0x75: {  	_ =	shalt  }
0x76: {  	_ =	shalt  }
0x77: {  	_ =	shalt  }
0x78: {  	_ =	shalt  }
0x79: {  	_ =	shalt  }
0x7a: {  	_ =	shalt  }
0x7b: {  	_ =	shalt  }
0x7c: {  	_ =	shalt  }
0x7d: {  	_ =	shalt  }
0x7e: {  	_ =	shalt  }
0x7f: {  	_ =	shalt  }
0x80: {  	_ =	shalt  }
0x81: {  	_ =	shalt  }
0x82: {  	_ =	shalt  }
0x83: {  	_ =	shalt  }
0x84: {  	_ =	shalt  }
0x85: {  	_ =	shalt  }
0x86: {  	_ =	shalt  }
0x87: {  	_ =	shalt  }
.Lfunc_end0:
.L_simem_size_0:
called_computation_lowered:
.L_overlay_start_0:
0x88: {  	s2 =	sld [smem:$0x3FD9]  }
0x89: {  	s3 =	sld [smem:$0x3FFE];
	_ =	sdelay $0x1  }
0x8a: {  	s1 =	srdreg.scid  }
0x8b: {  	s0 =	sand.u32 $0x1, s1  }
0x8c: {  	s17 =	sshll.u32 s0, $0xA;
	s2 =	sadd.s32 s3, s2  }
0x8d: {  	s2 =	sadd.s32 s2, s17  }
0x8e: {  	[smem:$0x3FC2] =	sst s2  }
0x8f: {  	_ = 	snop  }
0x90: {  	s2 =	sld [smem:$0x3FC9]  }
0x91: {  	s18 =	sld [smem:$0x3FD0];
	(tm) =	ssettm $0x1  }
0x92: {  	s4 =	sld [smem:$0x3FFB];
	_ =	sdelay $0x3  }
0x93: {  	_ =	strace s4  }
0x94: {  	s4 =	sld [smem:$0x3FFC];
	_ =	sdelay $0x3  }
0x95: {  	_ =	strace s4  }
0x96: {  	s4 =	sld [smem:$0x3FFD];
	_ =	sdelay $0x3  }
0x97: {  	_ =	strace s4  }
0x98: {  	_ =	strace $0x8FFFFFFF  }
0x99: {  	s19 =	sld [smem:$0x3FDB];
	_ =	sdelay $0x1  }
0x9a: {  	s5 =	simm.s32 $_scs_section_size  }
0x9b: {  	s6 =	simm.s32 $_size__tile_overlayer_lowered;
	s7 =	simm.s32 $_tile_overlayer_lowered  }
0x9c: {  	s22 =	simm.s32 $0x1BFF;
	s21 =	sshll.u32 s7, $0x1;
	s4 =	sadd.s32 s5, s19  }
0x9d: {  	s8 =	simm.s32 $0x0;
	s20 =	sshll.u32 s6, $0x1;
	s6 =	sadd.s32 s21, s4  }
0x9e: {  	[timem:s8], [sflag:s22] =	dma.local [hbm:s6], s20  }
0x9f: {  	_ =	swait.ge [sflag:s22], s20  }
0xa0: {  	s5 =	ssub.s32 $0x0, s20;
	[sflag:s22] =	ssyncset.done $0x0  }
0xa1: {  	[sflag:s22] =	ssyncadd.s32 s5;
	_ =	sdelay $0x1  }
0xa2: {  	s23 =	simm.s32 $0x1B8B  }
0xa3: {  	_ =	swait.ge [sflag:s23], $0x1  }
0xa4: {  	[sflag:s23] =	ssyncset.done $0x0  }
0xa5: {  	s25 =	simm.s32 $0x1B8E;
	s24 =	sld [smem:$0x3FFE];
	[sflag:s23] =	ssyncadd.s32 $0xFFFFFFFF  }
0xa6: {  	s26 =	simm.s32 $execute0_lowered;
	[smem:$0x3FD2] =	sst s25  }
0xa7: {  	s6 =	sshll.u32 s26, $0x1;
	_ =	strace $0x80000046;
	[dreg:$0x1] =	wrdreg $0xFFFFFFFF  }
0xa8: {  	s28 =	simm.s32 $_size_execute0_lowered;
	s4 =	sadd.s32 s4, s6;
	[dreg:$0x0] =	wrdreg $0x0  }
0xa9: {  	s6 =	sshll.u32 s28, $0x1;
	[dreg:$0x2] =	wrdreg s4  }
0xaa: {  	[dreg:$0x3] =	wrdreg s6  }
0xab: {  	[dreg:$0x4] =	wrdreg $0xC0  }
0xac: {  	_ =	task [dreg:s8], $0x5FFFF  }
0xad: {  	[dreg:$0x1] =	wrdreg $0xFFFFFFFF  }
0xae: {  	[dreg:$0x0] =	wrdreg $0x60  }
0xaf: {  	[dreg:$0x2] =	wrdreg s2  }
0xb0: {  	[dreg:$0x3] =	wrdreg s18  }
0xb1: {  	[dreg:$0x4] =	wrdreg s24  }
0xb2: {  	[dreg:$0x5] =	wrdreg $0x9  }
0xb3: {  	_ =	task.clear_ibuf [dreg:s8], $0x6FFFF;
	_ =	strace $0x90000046  }
0xb4: {  	s29 =	simm.s32 $0x9;
	_ =	strace $0x80000048  }
0xb5: {  	_ =	swait.ge [sflag:s29], $0x1  }
0xb6: {  	[sflag:s29] =	ssyncadd.s32 $0xFFFFFFFF  }
0xb7: {  	_ =	strace $0x90000048  }
0xb8: {  	_ =	sfence  }
0xb9: {  	s30 =	sld [smem:$0x0];
	_ =	sdelay $0x2  }
0xba: {  	s31 =	sshll.u32 s1, $0xD;
	s1 =	sshrl.u32 s1, $0x2  }
0xbb: {  	s3 =	sand.u32 $0x4000, s31;
	s1 =	sadd.s32 s1, s30  }
0xbc: {  	s0 =	sor.u32 s3, s0;
	s1 =	sshll.u32 s1, $0x11  }
0xbd: {  	s0 =	sor.u32 s1, s0  }
0xbe: {  	s0 =	sadd.s32 $0x8F2B, s0  }
0xbf: {  	[sflag:s0] =	ssyncadd.remote.s32 $0x1  }
0xc0: {  	_ =	sfence.sel $0xFFFF  }
0xc1: {  	[dreg:$0x0] =	wrdreg $0xFFFFFFFF;
	(pc) =	sbr.abs _section_cstart, $3  }
0xc2: {  	[dreg:$0x1] =	wrdreg $0xFFFFFFFF  }
0xc3: {  	_ =	task.clear_ibuf [dreg:s8], $0x2FFFF;
	_ =	strace $0x9FFFFFFF  }
0xc4: {  	(tm) =	ssettm $0x7FFFFFFF  }
0xc5: {  	_ =	shalt  }
tec
execute0_lowered:
.L_overlay_start_1:
0x0: {  	(tag) =	ssettag $0x1  }
0x1: {  	s1 =	rddreg [dreg:$0x0]  }
0x2: {  	s0 =	srdreg.scid;
	s5 =	rddreg [dreg:$0x1]  }
0x3: {  	s6 =	rddreg [dreg:$0x2];
	s3 =	simm.s32 $0x0;
	s10 =	simm.s32 $0x0  }
0x4: {  	s4 =	sand.u32 $0x1, s0;
	s0 =	stileid.u32;
	[smem:$0x7FF] =	sst s3  }
0x5: {  	s2 =	sshll.u32 s4, $0x4;
	s7 =	smul.u32 $0x280000, s4;
	s4 =	ssub.s32 $0x2, s4  }
0x6: {  	s9 =	smul.u32 $0x28000, s0;
	s8 =	sor.u32 s0, s2;
	s2 =	rddreg [dreg:$0x3]  }
0x7: {  	s31 =	sshrl.u32 s4, $0x1;
	s8 =	smul.u32 $0x500, s8;
	s6 =	sadd.s32 s7, s6  }
0x8: {  	_ =	strace $0x80000047;
	s7 =	ssub.s32 s4, s31;
	s6 =	sadd.s32 s9, s6  }
0x9: {  	s9 =	simm.s32 $0x2800;
	s4 =	sadd.s32 s5, s8;
	s5 =	smax.u32 s7, $0x1  }
0xa: {  	s6 =	sadd.s32 $0xB600, s6;
	s7 =	simm.s32 $0x1;
	s8 =	simm.s32 $0x7D  }
.LBB2_1:
0xb: {  	[tilespmem:s3], [sflag:$0x1] =	stream.linear.gather [hbm4b:s4+s3], $0x2800, $0x38;
	[tilespmem:$0x6800] =	vst v63  }
0xc: {  	_ =	swait.ge [sflag:s7], $0x2800  }
0xd: {  	[sflag:s7] =	ssyncset.done $0x0  }
0xe: {  	s11 =	simm.s32 $0x0;
	[sflag:s7] =	ssyncadd.s32 $0xFFFFD800  }
0xf: {  	[tilespmem:s9], [sflag:$0x1] =	stream.indirect.gather [hbm4b:s1+s8], $0x80, s11, s8, $0xb8;
	[tilespmem:$0x6800] =	vst v63  }
0x10: {  	_ =	swait.ge [sflag:s7], $0x3E80  }
0x11: {  	[sflag:s7] =	ssyncset.done $0x0  }
0x12: {  	[sflag:s7] =	ssyncadd.s32 $0xFFFFC180  }
0x13: {  	[hbm4b:s6+s3] =	stream.linear.scatter [tilespmem:s9], [sflag:$0x1], $0x3E80, $0x38;
	[tilespmem:$0x6800] =	vst v63  }
0x14: {  	s12 =	simm.s32 $0x200;
	_ =	swait.ge [sflag:s7], $0x3E80  }
0x15: {  	s13 =	simm.s32 $0x400;
	s11 =	sadd.s32 $0x800, s6;
	[sflag:s7] =	ssyncset.done $0x0  }
.LBB2_2:
0x16: {  	s14 =	sshra.s32 s12, $0x2  }
0x17: {  	[sflag:s7] =	ssyncadd.s32 $0xFFFFC180;
	s12 =	smov.u32 s13;
	s15 =	sadd.s32 $0x200, s13  }
0x18: {  	[tilespmem:s9], [sflag:$0x1] =	stream.indirect.gather [hbm4b:s1+s8], $0x80, s14, s8, $0xb8;
	[tilespmem:$0x6800] =	vst v63  }
0x19: {  	p0 =	sne.s32 s13, $0x9E00;
	_ =	swait.ge [sflag:s7], $0x3E80  }
.Ltmp0:
0x1a: {  	[sflag:s7] =	ssyncset.done $0x0;
	(pc) =	sbr.rel @p0 .LBB2_2-.Ltmp0, $4  }
0x1b: {  	[sflag:s7] =	ssyncadd.s32 $0xFFFFC180  }
0x1c: {  	[hbm4b:s11+s3] =	stream.linear.scatter [tilespmem:s9], [sflag:$0x1], $0x3E80, $0x38;
	[tilespmem:$0x6800] =	vst v63  }
0x1d: {  	_ =	swait.ge [sflag:s7], $0x3E80  }
0x1e: {  	s13 =	smov.u32 s15;
	s11 =	sadd.s32 $0x800, s11;
	[sflag:s7] =	ssyncset.done $0x0  }
0x1f: {  	s12 =	sshra.s32 s12, $0x2;
	[sflag:s7] =	ssyncadd.s32 $0xFFFFC180  }
0x20: {  	[tilespmem:s9], [sflag:$0x1] =	stream.indirect.gather [hbm4b:s1+s8], $0x80, s12, s8, $0xb8;
	[tilespmem:$0x6800] =	vst v63  }
0x21: {  	s10 =	sadd.s32 $0x1, s10;
	_ =	swait.ge [sflag:s7], $0x3E80  }
0x22: {  	p0 =	sne.s32 s10, s5;
	[sflag:s7] =	ssyncset.done $0x0  }
.Ltmp1:
0x23: {  	[sflag:s7] =	ssyncadd.s32 $0xFFFFC180;
	(pc) =	sbr.rel @p0 .LBB2_1-.Ltmp1, $4  }
0x24: {  	[hbm4b:s11+s3] =	stream.linear.scatter [tilespmem:s9], [sflag:$0x1], $0x3E80, $0x38;
	[tilespmem:$0x6800] =	vst v63  }
0x25: {  	_ =	swait.ge [sflag:s7], $0x3E80  }
0x26: {  	[sflag:s7] =	ssyncset.done $0x0  }
0x27: {  	[sflag:s7] =	ssyncadd.s32 $0xFFFFC180  }
0x28: {  	_ =	sfence.sel $0x180000  }
0x29: {  	[bflag:$0x0] =	sbarrier.arrive $0xFFFF  }
0x2a: {  	p0 =	sne.s32 s0, $0x0;
	_ =	strace $0x90000047  }
0x2b: {  	s0 =	sadd.s32 @!p0 $0x100000, s2;
	[bflag:$0x2] =	sbarrier.arrive $0xFFFF  }
0x2c: {  	[sflag:s0] =	ssyncadd.tile.s32 @!p0 $0x1;
	_ =	shalt  }
.Lfunc_end2:
_tile_overlayer_lowered:
.L_overlay_start_2:
0x2d: {  	(tag) =	ssettag $0x2  }
0x2e: {  	s0 =	rddreg [dreg:$0x0];
	s2 =	stileid.u32  }
0x2f: {  	s1 =	rddreg [dreg:$0x1];
	p0 =	sne.s32 s2, $0x0  }
0x30: {  	s3 =	rddreg [dreg:$0x2];
	[bflag:$0x3] =	sbarrier.arrive $0xFFFF;
	s2 =	simm.s32 @!p0 $0x1C01  }
0x31: {  	[timem:s3], [sflag:s2] =	dma.local @!p0 [hbm:s0], s1  }
0x32: {  	s0 =	simm.s32 @!p0 $0x1  }
0x33: {  	_ =	swait.ge @!p0 [sflag:s0], s1  }
0x34: {  	s1 =	ssub.s32 @!p0 $0x0, s1;
	[sflag:s0] =	ssyncset.done @!p0 $0x0  }
0x35: {  	[sflag:s0] =	ssyncadd.s32 @!p0 s1  }
0x36: {  	[bflag:$0x3] =	sbarrier.arrive $0xFFFF  }
0x37: {  	_ =	shalt  }

// kernel: kernel.9.cloned.1.call-start
scs
__scs_entry_jumppad:
0x0: {  	(pc) =	sbr.rel $0x88, $3  }
0x1: {  	(tag) =	ssettag $0x0;
	lr =	simm.s32 $0x1  }
0x2: {  	[smem:$0x3F9B] =	sst lr;
	_ =	strace $0xD0000000  }
0x3: {  	_ = 	snop  }
0x4: {  	_ = 	snop  }
0x5: {  	_ = 	snop  }
0x6: {  	_ = 	snop  }
0x7: {  	_ = 	snop  }
__scs_overlays_trampoline_lowered:
0x8: {  	[smem:$0x3FAA] =	sst s0  }
0x9: {  	[smem:$0x3FAB] =	sst s1  }
0xa: {  	[smem:$0x3FAC] =	sst s2  }
0xb: {  	[smem:$0x3FAD] =	sst s3  }
0xc: {  	[smem:$0x3FAE] =	sst s4  }
0xd: {  	[smem:$0x3FAF] =	sst s5  }
0xe: {  	[smem:$0x3FB0] =	sst s6  }
0xf: {  	[smem:$0x3FB1] =	sst s7  }
0x10: {  	[smem:$0x3FB2] =	sst s8  }
0x11: {  	[smem:$0x3FB3] =	sst s9;
	s0 =	simm.s32 @!p0 $0x0  }
0x12: {  	s1 =	sld [smem:$0x3F99];
	s0 =	simm.s32 @p0 $0x1  }
0x13: {  	[smem:$0x3FB4] =	sst s0;
	s0 =	simm.s32 @!p1 $0x0  }
0x14: {  	s2 =	sld [smem:$0x3F98];
	s0 =	simm.s32 @p1 $0x1  }
0x15: {  	[smem:$0x3FB5] =	sst s0;
	s0 =	simm.s32 @!p2 $0x0  }
0x16: {  	s3 =	sld [smem:$0x3FDB];
	s0 =	simm.s32 @p2 $0x1  }
0x17: {  	s4 =	simm.s32 $0x1BF5;
	[smem:$0x3FB7] =	sst s0  }
0x18: {  	s0 =	sld [smem:$0x3F9A];
	_ =	swait.ge [sflag:s4], $0x0  }
0x19: {  	s7 =	sld [smem:$0x3F9B]  }
0x1a: {  	s8 =	sadd.s32 $0xFFFFE003, lr  }
0x1b: {  	s9 =	sadd.s32 $0xFFFFFEF7, lr;
	s5 =	simm.s32 $0xFFFFFFFF;
	p2 =	slt.u32 s8, $0xFFFFF086  }
0x1c: {  	p1 =	slt.u32 s9, $0xF7A;
	s5 =	simm.s32 @!p2 $0x0  }
0x1d: {  	s5 =	simm.s32 @p1 $0x1;
	p0 =	seq.s32 s7, s2  }
0x1e: {  	s7 =	smul.u32 @!p0 $0xF7A, s2;
	p2 =	seq.s32 @!p0 s5, $0x0  }
0x1f: {  	s9 =	smul.u32 $0xF7A, s1;
	s8 =	simm.s32 @!p0 $0x1BF5;
	p2 =	por !p2, p0  }
0x20: {  	[sflag:s8] =	ssyncset.s32 @!p0 $0xFFFFF086;
	s6 =	sadd.s32 @!p0 s3, s7;
	s7 =	simm.s32 @!p0 $0x108  }
0x21: {  	s3 =	sadd.s32 s3, s9;
	s6 =	sadd.s32 @!p0 $0x88, s6;
	s7 =	simm.s32 @p2 $0x1082  }
0x22: {  	[simem:s7], [sflag:s8] =	dma.local @!p0 [hbm:s6], $0xF7A  }
0x23: {  	s9 =	sor.u32 $0xD0000000, s2;
	s6 =	simm.s32 $0x108;
	_ =	swait.ge @!p0 [sflag:s8], $0x0  }
0x24: {  	s3 =	sadd.s32 $0x88, s3;
	s6 =	simm.s32 @!p1 $0x1082;
	[sflag:s4] =	ssyncset.s32 $0xFFFFF086  }
0x25: {  	[simem:s6], [sflag:s4] =	dma.local [hbm:s3], $0xF7A  }
0x26: {  	[smem:$0x3F9B] =	sst s1;
	(tag) =	ssettag s2;
	_ =	strace s9  }
0x27: {  	s1 =	sld [smem:$0x3FAB]  }
0x28: {  	s2 =	sld [smem:$0x3FAC]  }
0x29: {  	s4 =	sld [smem:$0x3FAE]  }
0x2a: {  	p0 =	seq.s32 s5, $0x0;
	s5 =	sld [smem:$0x3FAF]  }
0x2b: {  	s6 =	sld [smem:$0x3FB0]  }
0x2c: {  	s7 =	sld [smem:$0x3FB1]  }
0x2d: {  	s3 =	simm.s32 $0x108;
	s8 =	sld [smem:$0x3FB2]  }
0x2e: {  	s3 =	simm.s32 @!p0 $0x1082;
	s9 =	sld [smem:$0x3FB3]  }
0x2f: {  	lr =	sadd.s32 s0, s3;
	s0 =	sld [smem:$0x3FAA]  }
0x30: {  	s3 =	sld [smem:$0x3FAD]  }
0x31: {  	[smem:$0x3FB6] =	sst s10  }
0x32: {  	s10 =	sld [smem:$0x3FB4];
	_ =	sdelay $0x3  }
0x33: {  	p0 =	seq.s32 s10, $0x1;
	s10 =	sld [smem:$0x3FB6];
	_ =	sdelay $0x3  }
0x34: {  	[smem:$0x3FB6] =	sst s10  }
0x35: {  	s10 =	sld [smem:$0x3FB5];
	_ =	sdelay $0x3  }
0x36: {  	p1 =	seq.s32 s10, $0x1;
	s10 =	sld [smem:$0x3FB6];
	_ =	sdelay $0x3  }
0x37: {  	[smem:$0x3FB6] =	sst s10  }
0x38: {  	s10 =	sld [smem:$0x3FB7]  }
0x39: {  	_ = 	snop;
	(pc) =	sbr.ind lr, $3  }
0x3a: {  	_ = 	snop  }
0x3b: {  	_ = 	snop  }
0x3c: {  	p2 =	seq.s32 s10, $0x1;
	s10 =	sld [smem:$0x3FB6]  }
0x3d: {  	_ =	shalt  }
0x3e: {  	_ =	shalt  }
0x3f: {  	_ =	shalt  }
0x40: {  	_ =	shalt  }
0x41: {  	_ =	shalt  }
0x42: {  	_ =	shalt  }
0x43: {  	_ =	shalt  }
0x44: {  	_ =	shalt  }
0x45: {  	_ =	shalt  }
0x46: {  	_ =	shalt  }
0x47: {  	_ =	shalt  }
0x48: {  	_ =	shalt  }
0x49: {  	_ =	shalt  }
0x4a: {  	_ =	shalt  }
0x4b: {  	_ =	shalt  }
0x4c: {  	_ =	shalt  }
0x4d: {  	_ =	shalt  }
0x4e: {  	_ =	shalt  }
0x4f: {  	_ =	shalt  }
0x50: {  	_ =	shalt  }
0x51: {  	_ =	shalt  }
0x52: {  	_ =	shalt  }
0x53: {  	_ =	shalt  }
0x54: {  	_ =	shalt  }
0x55: {  	_ =	shalt  }
0x56: {  	_ =	shalt  }
0x57: {  	_ =	shalt  }
0x58: {  	_ =	shalt  }
0x59: {  	_ =	shalt  }
0x5a: {  	_ =	shalt  }
0x5b: {  	_ =	shalt  }
0x5c: {  	_ =	shalt  }
0x5d: {  	_ =	shalt  }
0x5e: {  	_ =	shalt  }
0x5f: {  	_ =	shalt  }
0x60: {  	_ =	shalt  }
0x61: {  	_ =	shalt  }
0x62: {  	_ =	shalt  }
0x63: {  	_ =	shalt  }
0x64: {  	_ =	shalt  }
0x65: {  	_ =	shalt  }
0x66: {  	_ =	shalt  }
0x67: {  	_ =	shalt  }
0x68: {  	_ =	shalt  }
0x69: {  	_ =	shalt  }
0x6a: {  	_ =	shalt  }
0x6b: {  	_ =	shalt  }
0x6c: {  	_ =	shalt  }
0x6d: {  	_ =	shalt  }
0x6e: {  	_ =	shalt  }
0x6f: {  	_ =	shalt  }
0x70: {  	_ =	shalt  }
0x71: {  	_ =	shalt  }
0x72: {  	_ =	shalt  }
0x73: {  	_ =	shalt  }
0x74: {  	_ =	shalt  }
0x75: {  	_ =	shalt  }
0x76: {  	_ =	shalt  }
0x77: {  	_ =	shalt  }
0x78: {  	_ =	shalt  }
0x79: {  	_ =	shalt  }
0x7a: {  	_ =	shalt  }
0x7b: {  	_ =	shalt  }
0x7c: {  	_ =	shalt  }
0x7d: {  	_ =	shalt  }
0x7e: {  	_ =	shalt  }
0x7f: {  	_ =	shalt  }
0x80: {  	_ =	shalt  }
0x81: {  	_ =	shalt  }
0x82: {  	_ =	shalt  }
0x83: {  	_ =	shalt  }
0x84: {  	_ =	shalt  }
0x85: {  	_ =	shalt  }
0x86: {  	_ =	shalt  }
0x87: {  	_ =	shalt  }
.Lfunc_end0:
.L_simem_size_0:
called_computation.1_lowered:
.L_overlay_start_0:
0x88: {  	s2 =	sld [smem:$0x3FD9]  }
0x89: {  	s3 =	sld [smem:$0x3FFE];
	_ =	sdelay $0x1  }
0x8a: {  	s1 =	srdreg.scid  }
0x8b: {  	s0 =	sand.u32 $0x1, s1  }
0x8c: {  	s17 =	sshll.u32 s0, $0xA;
	s2 =	sadd.s32 s3, s2  }
0x8d: {  	s2 =	sadd.s32 s2, s17  }
0x8e: {  	[smem:$0x3FC2] =	sst s2  }
0x8f: {  	_ = 	snop  }
0x90: {  	s2 =	sld [smem:$0x3FD0];
	(tm) =	ssettm $0x1  }
0x91: {  	s18 =	sld [smem:$0x3FFB];
	_ =	sdelay $0x3  }
0x92: {  	_ =	strace s18  }
0x93: {  	s3 =	sld [smem:$0x3FFC];
	_ =	sdelay $0x3  }
0x94: {  	_ =	strace s3  }
0x95: {  	s3 =	sld [smem:$0x3FFD];
	_ =	sdelay $0x3  }
0x96: {  	_ =	strace s3  }
0x97: {  	_ =	strace $0x8FFFFFFF  }
0x98: {  	s19 =	sld [smem:$0x3FDB];
	_ =	sdelay $0x1  }
0x99: {  	s4 =	simm.s32 $_scs_section_size  }
0x9a: {  	s5 =	simm.s32 $_size__tile_overlayer_lowered;
	s6 =	simm.s32 $_tile_overlayer_lowered  }
0x9b: {  	s22 =	simm.s32 $0x1BFF;
	s21 =	sshll.u32 s6, $0x1;
	s3 =	sadd.s32 s4, s19  }
0x9c: {  	s7 =	simm.s32 $0x0;
	s20 =	sshll.u32 s5, $0x1;
	s5 =	sadd.s32 s21, s3  }
0x9d: {  	[timem:s7], [sflag:s22] =	dma.local [hbm:s5], s20  }
0x9e: {  	_ =	swait.ge [sflag:s22], s20  }
0x9f: {  	s4 =	ssub.s32 $0x0, s20;
	[sflag:s22] =	ssyncset.done $0x0  }
0xa0: {  	[sflag:s22] =	ssyncadd.s32 s4;
	_ =	sdelay $0x1  }
0xa1: {  	s23 =	simm.s32 $0x1B8B  }
0xa2: {  	_ =	swait.ge [sflag:s23], $0x1  }
0xa3: {  	[sflag:s23] =	ssyncset.done $0x0  }
0xa4: {  	s25 =	simm.s32 $0x1B8E;
	s24 =	sld [smem:$0x3FFE];
	[sflag:s23] =	ssyncadd.s32 $0xFFFFFFFF  }
0xa5: {  	s26 =	simm.s32 $execute0_lowered;
	[smem:$0x3FD2] =	sst s25  }
0xa6: {  	s5 =	sshll.u32 s26, $0x1;
	_ =	strace $0x80000049;
	[dreg:$0x1] =	wrdreg $0xFFFFFFFF  }
0xa7: {  	s28 =	simm.s32 $_size_execute0_lowered;
	s3 =	sadd.s32 s3, s5;
	[dreg:$0x0] =	wrdreg $0x0  }
0xa8: {  	s5 =	sshll.u32 s28, $0x1;
	[dreg:$0x2] =	wrdreg s3  }
0xa9: {  	[dreg:$0x3] =	wrdreg s5  }
0xaa: {  	[dreg:$0x4] =	wrdreg $0xC0  }
0xab: {  	_ =	task [dreg:s7], $0x5FFFF  }
0xac: {  	[dreg:$0x1] =	wrdreg $0xFFFFFFFF  }
0xad: {  	[dreg:$0x0] =	wrdreg $0x60  }
0xae: {  	[dreg:$0x2] =	wrdreg s24  }
0xaf: {  	[dreg:$0x3] =	wrdreg s2  }
0xb0: {  	[dreg:$0x4] =	wrdreg $0x68000  }
0xb1: {  	[dreg:$0x5] =	wrdreg $0x9  }
0xb2: {  	_ =	task.clear_ibuf [dreg:s7], $0x6FFFF;
	_ =	strace $0x90000049  }
0xb3: {  	s29 =	simm.s32 $0x9;
	_ =	strace $0x8000004B  }
0xb4: {  	_ =	swait.ge [sflag:s29], $0x1  }
0xb5: {  	[sflag:s29] =	ssyncadd.s32 $0xFFFFFFFF  }
0xb6: {  	_ =	strace $0x9000004B  }
0xb7: {  	_ =	sfence  }
0xb8: {  	s30 =	sld [smem:$0x0];
	_ =	sdelay $0x2  }
0xb9: {  	s31 =	sshll.u32 s1, $0xD;
	s1 =	sshrl.u32 s1, $0x2  }
0xba: {  	s3 =	sand.u32 $0x4000, s31;
	s1 =	sadd.s32 s1, s30  }
0xbb: {  	s0 =	sor.u32 s3, s0;
	s1 =	sshll.u32 s1, $0x11  }
0xbc: {  	s0 =	sor.u32 s1, s0  }
0xbd: {  	s0 =	sadd.s32 $0x8F2B, s0  }
0xbe: {  	[sflag:s0] =	ssyncadd.remote.s32 $0x1  }
0xbf: {  	_ =	sfence.sel $0xFFFF  }
0xc0: {  	[dreg:$0x0] =	wrdreg $0xFFFFFFFF;
	(pc) =	sbr.abs _section_cstart, $3  }
0xc1: {  	[dreg:$0x1] =	wrdreg $0xFFFFFFFF  }
0xc2: {  	_ =	task.clear_ibuf [dreg:s7], $0x2FFFF;
	_ =	strace $0x9FFFFFFF  }
0xc3: {  	(tm) =	ssettm $0x7FFFFFFF  }
tec
execute0_lowered:
.L_overlay_start_1:
0x0: {  	(tag) =	ssettag $0x1  }
0x1: {  	s6 =	rddreg [dreg:$0x0]  }
0x2: {  	s1 =	rddreg [dreg:$0x1];
	s0 =	srdreg.scid  }
0x3: {  	s3 =	rddreg [dreg:$0x2];
	s2 =	stileid.u32  }
0x4: {  	s4 =	simm.s32 $0x0;
	s7 =	sand.u32 $0x1, s0;
	s0 =	rddreg [dreg:$0x3]  }
0x5: {  	s28 =	simm.s32 $0x0;
	[smem:$0x7FF] =	sst s4;
	s9 =	smul.u32 $0x4E200, s2  }
0x6: {  	s16 =	sadd.s32 $0x1800, s6;
	s12 =	smul.u32 $0x14000, s2;
	s21 =	sadd.s32 $0x51800, s6  }
0x7: {  	s5 =	sshll.u32 s7, $0x4;
	s8 =	smul.u32 $0x280000, s7;
	_ =	strace $0x8000004A  }
0x8: {  	s10 =	ssub.s32 $0x2, s7;
	s11 =	smul.u32 $0x140000, s7;
	s5 =	sor.u32 s2, s5  }
0x9: {  	s26 =	sshrl.u32 s10, $0x1;
	s29 =	sshrl.u32 s9, $0x2;
	s5 =	smul.u32 $0x500, s5  }
0xa: {  	s22 =	sadd.s32 s8, s6;
	s23 =	ssub.s32 s10, s26;
	s7 =	sadd.s32 s29, s3  }
0xb: {  	s30 =	sadd.s32 s12, s11;
	s26 =	simm.s32 $0x7D;
	s8 =	sadd.s32 $0x3E80, s7  }
0xc: {  	s9 =	sadd.s32 $0x7D00, s7;
	s17 =	sshrl.u32 s30, $0x3;
	s10 =	sadd.s32 $0xBB80, s7  }
0xd: {  	s11 =	sadd.s32 $0xFA00, s7;
	s25 =	sadd.s32 s5, s6;
	s5 =	sadd.s32 $0x9E3800, s6  }
0xe: {  	s18 =	sadd.s32 $0x800, s17;
	s12 =	sadd.s32 s16, s17;
	s19 =	sadd.s32 $0x1000, s17  }
0xf: {  	s20 =	sadd.s32 $0x1800, s17;
	s24 =	sadd.s32 $0x2000, s17;
	s17 =	sadd.s32 s21, s17  }
0x10: {  	s6 =	sadd.s32 $0x9ED600, s25;
	s13 =	sadd.s32 s16, s18;
	s14 =	sadd.s32 s16, s19  }
0x11: {  	s15 =	sadd.s32 s16, s20;
	s16 =	sadd.s32 s16, s24;
	s25 =	smul.u32 $0x28000, s2  }
0x12: {  	s18 =	sadd.s32 s21, s18;
	s19 =	sadd.s32 s21, s19;
	s20 =	sadd.s32 s21, s20  }
0x13: {  	s21 =	sadd.s32 s21, s24;
	s24 =	simm.s32 $0x1;
	s31 =	sadd.s32 s25, s22  }
0x14: {  	s22 =	smax.u32 s23, $0x1;
	s25 =	simm.s32 $0x2800;
	s23 =	sadd.s32 $0x4E3800, s31  }
.LBB2_1:
0x15: {  	[tilespmem:s4], [sflag:$0x1] =	stream.linear.gather [hbm4b:s6+s4], $0x2800, $0x38;
	[tilespmem:$0x1A080] =	vst v63  }
0x16: {  	_ =	swait.ge [sflag:s24], $0x2800  }
0x17: {  	[sflag:s24] =	ssyncset.done $0x0  }
0x18: {  	[sflag:s24] =	ssyncadd.s32 $0xFFFFD800  }
0x19: {  	[tilespmem:s25], [sflag:$0x1] =	stream.linear.gather [hbm4b:s1+s4], $0x3E80, $0x38;
	[tilespmem:$0x1A080] =	vst v63  }
0x1a: {  	_ =	swait.ge [sflag:s24], $0x3E80  }
0x1b: {  	[sflag:s24] =	ssyncset.done $0x0  }
0x1c: {  	[sflag:s24] =	ssyncadd.s32 $0xFFFFC180  }
0x1d: {  	[spmem:s7] =	stream.linear.scatter [tilespmem:s25], [sflag:$0x1], $0x3E80, $0x38;
	[tilespmem:$0x1A080] =	vst v63  }
0x1e: {  	_ =	swait.ge [sflag:s24], $0x3E80  }
0x1f: {  	[sflag:s24] =	ssyncset.done $0x0  }
0x20: {  	[sflag:s24] =	ssyncadd.s32 $0xFFFFC180  }
0x21: {  	[spmem:s8] =	stream.linear.scatter [tilespmem:s25], [sflag:$0x1], $0x3E80, $0x38;
	[tilespmem:$0x1A080] =	vst v63  }
0x22: {  	_ =	swait.ge [sflag:s24], $0x3E80  }
0x23: {  	[sflag:s24] =	ssyncset.done $0x0  }
0x24: {  	[sflag:s24] =	ssyncadd.s32 $0xFFFFC180  }
0x25: {  	[spmem:s9] =	stream.linear.scatter [tilespmem:s25], [sflag:$0x1], $0x3E80, $0x38;
	[tilespmem:$0x1A080] =	vst v63  }
0x26: {  	_ =	swait.ge [sflag:s24], $0x3E80  }
0x27: {  	[sflag:s24] =	ssyncset.done $0x0  }
0x28: {  	[sflag:s24] =	ssyncadd.s32 $0xFFFFC180  }
0x29: {  	[spmem:s10] =	stream.linear.scatter [tilespmem:s25], [sflag:$0x1], $0x3E80, $0x38;
	[tilespmem:$0x1A080] =	vst v63  }
0x2a: {  	_ =	swait.ge [sflag:s24], $0x3E80  }
0x2b: {  	[sflag:s24] =	ssyncset.done $0x0  }
0x2c: {  	[sflag:s24] =	ssyncadd.s32 $0xFFFFC180  }
0x2d: {  	[spmem:s11] =	stream.linear.scatter [tilespmem:s25], [sflag:$0x1], $0x3E80, $0x38;
	[tilespmem:$0x1A080] =	vst v63  }
0x2e: {  	_ =	swait.ge [sflag:s24], $0x3E80  }
0x2f: {  	[sflag:s24] =	ssyncset.done $0x0  }
0x30: {  	[sflag:s24] =	ssyncadd.s32 $0xFFFFC180  }
0x31: {  	[bflag:$0x0] =	sbarrier.arrive $0xFFFF  }
0x32: {  	[tilespmem:s25], [sflag:$0x1] =	stream.linear.gather [hbm4b:s23+s4], $0x3E80, $0x38;
	[tilespmem:$0x1A080] =	vst v63  }
0x33: {  	_ =	swait.ge [sflag:s24], $0x3E80  }
0x34: {  	[sflag:s24] =	ssyncset.done $0x0  }
0x35: {  	s29 =	simm.s32 $0x0;
	[sflag:s24] =	ssyncadd.s32 $0xFFFFC180  }
0x36: {  	[spmem:s3] =	stream.indirect.scatter.add.f32 [tilespmem:s25], [sflag:$0x1], $0x80, s29, s26, $0xb8;
	[tilespmem:$0x1A080] =	vst v63  }
0x37: {  	_ =	swait.ge [sflag:s24], $0x3E80  }
0x38: {  	s30 =	smov.u32 s23;
	s29 =	simm.s32 $0x200;
	[sflag:s24] =	ssyncset.done $0x0  }
.LBB2_2:
0x39: {  	p0 =	sne.s32 s29, $0x9E00;
	[sflag:s24] =	ssyncadd.s32 $0xFFFFC180;
	s30 =	sadd.s32 $0x800, s30  }
0x3a: {  	[tilespmem:s25], [sflag:$0x1] =	stream.linear.gather [hbm4b:s30+s4], $0x3E80, $0x38;
	[tilespmem:$0x1A080] =	vst v63  }
0x3b: {  	s31 =	smov.u32 s29;
	s29 =	sadd.s32 $0x200, s29;
	_ =	swait.ge [sflag:s24], $0x3E80  }
.Ltmp0:
0x3c: {  	[sflag:s24] =	ssyncset.done $0x0;
	(pc) =	sbr.rel @p0 .LBB2_2-.Ltmp0, $4  }
0x3d: {  	s31 =	sshra.s32 s31, $0x2;
	[sflag:s24] =	ssyncadd.s32 $0xFFFFC180  }
0x3e: {  	[spmem:s3] =	stream.indirect.scatter.add.f32 [tilespmem:s25], [sflag:$0x1], $0x80, s31, s26, $0xb8;
	[tilespmem:$0x1A080] =	vst v63  }
0x3f: {  	_ =	swait.ge [sflag:s24], $0x3E80  }
0x40: {  	[sflag:s24] =	ssyncset.done $0x0  }
0x41: {  	[sflag:s24] =	ssyncadd.s32 $0xFFFFC180  }
0x42: {  	[bflag:$0x0] =	sbarrier.arrive $0xFFFF  }
0x43: {  	[tilespmem:s25], [sflag:$0x1] =	stream.linear.gather [spmem:s7], $0x3E80, $0x38;
	[tilespmem:$0x1A080] =	vst v63  }
0x44: {  	_ =	swait.ge [sflag:s24], $0x3E80  }
0x45: {  	[sflag:s24] =	ssyncset.done $0x0  }
0x46: {  	s29 =	simm.s32 $0x0;
	[sflag:s24] =	ssyncadd.s32 $0xFFFFC180  }
0x47: {  	[hbm4b:s12+s29] =	stream.linear.scatter [tilespmem:s25], [sflag:$0x1], $0x3E80, $0x38;
	[tilespmem:$0x1A080] =	vst v63  }
0x48: {  	_ =	swait.ge [sflag:s24], $0x3E80  }
0x49: {  	[sflag:s24] =	ssyncset.done $0x0  }
0x4a: {  	[sflag:s24] =	ssyncadd.s32 $0xFFFFC180  }
0x4b: {  	[tilespmem:s25], [sflag:$0x1] =	stream.linear.gather [spmem:s8], $0x3E80, $0x38;
	[tilespmem:$0x1A080] =	vst v63  }
0x4c: {  	_ =	swait.ge [sflag:s24], $0x3E80  }
0x4d: {  	[sflag:s24] =	ssyncset.done $0x0  }
0x4e: {  	[sflag:s24] =	ssyncadd.s32 $0xFFFFC180  }
0x4f: {  	[hbm4b:s13+s29] =	stream.linear.scatter [tilespmem:s25], [sflag:$0x1], $0x3E80, $0x38;
	[tilespmem:$0x1A080] =	vst v63  }
0x50: {  	_ =	swait.ge [sflag:s24], $0x3E80  }
0x51: {  	[sflag:s24] =	ssyncset.done $0x0  }
0x52: {  	[sflag:s24] =	ssyncadd.s32 $0xFFFFC180  }
0x53: {  	[tilespmem:s25], [sflag:$0x1] =	stream.linear.gather [spmem:s9], $0x3E80, $0x38;
	[tilespmem:$0x1A080] =	vst v63  }
0x54: {  	_ =	swait.ge [sflag:s24], $0x3E80  }
0x55: {  	[sflag:s24] =	ssyncset.done $0x0  }
0x56: {  	[sflag:s24] =	ssyncadd.s32 $0xFFFFC180  }
0x57: {  	[hbm4b:s14+s29] =	stream.linear.scatter [tilespmem:s25], [sflag:$0x1], $0x3E80, $0x38;
	[tilespmem:$0x1A080] =	vst v63  }
0x58: {  	_ =	swait.ge [sflag:s24], $0x3E80  }
0x59: {  	[sflag:s24] =	ssyncset.done $0x0  }
0x5a: {  	[sflag:s24] =	ssyncadd.s32 $0xFFFFC180  }
0x5b: {  	[tilespmem:s25], [sflag:$0x1] =	stream.linear.gather [spmem:s10], $0x3E80, $0x38;
	[tilespmem:$0x1A080] =	vst v63  }
0x5c: {  	_ =	swait.ge [sflag:s24], $0x3E80  }
0x5d: {  	[sflag:s24] =	ssyncset.done $0x0  }
0x5e: {  	[sflag:s24] =	ssyncadd.s32 $0xFFFFC180  }
0x5f: {  	[hbm4b:s15+s29] =	stream.linear.scatter [tilespmem:s25], [sflag:$0x1], $0x3E80, $0x38;
	[tilespmem:$0x1A080] =	vst v63  }
0x60: {  	_ =	swait.ge [sflag:s24], $0x3E80  }
0x61: {  	[sflag:s24] =	ssyncset.done $0x0  }
0x62: {  	[sflag:s24] =	ssyncadd.s32 $0xFFFFC180  }
0x63: {  	[tilespmem:s25], [sflag:$0x1] =	stream.linear.gather [spmem:s11], $0x3E80, $0x38;
	[tilespmem:$0x1A080] =	vst v63  }
0x64: {  	_ =	swait.ge [sflag:s24], $0x3E80  }
0x65: {  	[sflag:s24] =	ssyncset.done $0x0  }
0x66: {  	[sflag:s24] =	ssyncadd.s32 $0xFFFFC180  }
0x67: {  	[hbm4b:s16+s29] =	stream.linear.scatter [tilespmem:s25], [sflag:$0x1], $0x3E80, $0x38;
	[tilespmem:$0x1A080] =	vst v63  }
0x68: {  	_ =	swait.ge [sflag:s24], $0x3E80  }
0x69: {  	[sflag:s24] =	ssyncset.done $0x0  }
0x6a: {  	[sflag:s24] =	ssyncadd.s32 $0xFFFFC180  }
0x6b: {  	[bflag:$0x0] =	sbarrier.arrive $0xFFFF  }
0x6c: {  	[tilespmem:s25], [sflag:$0x1] =	stream.linear.gather [hbm4b:s1+s29], $0x3E80, $0x38;
	[tilespmem:$0x1A080] =	vst v63  }
0x6d: {  	_ =	swait.ge [sflag:s24], $0x3E80  }
0x6e: {  	[sflag:s24] =	ssyncset.done $0x0  }
0x6f: {  	[sflag:s24] =	ssyncadd.s32 $0xFFFFC180  }
0x70: {  	[spmem:s7] =	stream.linear.scatter [tilespmem:s25], [sflag:$0x1], $0x3E80, $0x38;
	[tilespmem:$0x1A080] =	vst v63  }
0x71: {  	_ =	swait.ge [sflag:s24], $0x3E80  }
0x72: {  	[sflag:s24] =	ssyncset.done $0x0  }
0x73: {  	[sflag:s24] =	ssyncadd.s32 $0xFFFFC180  }
0x74: {  	[spmem:s8] =	stream.linear.scatter [tilespmem:s25], [sflag:$0x1], $0x3E80, $0x38;
	[tilespmem:$0x1A080] =	vst v63  }
0x75: {  	_ =	swait.ge [sflag:s24], $0x3E80  }
0x76: {  	[sflag:s24] =	ssyncset.done $0x0  }
0x77: {  	[sflag:s24] =	ssyncadd.s32 $0xFFFFC180  }
0x78: {  	[spmem:s9] =	stream.linear.scatter [tilespmem:s25], [sflag:$0x1], $0x3E80, $0x38;
	[tilespmem:$0x1A080] =	vst v63  }
0x79: {  	_ =	swait.ge [sflag:s24], $0x3E80  }
0x7a: {  	[sflag:s24] =	ssyncset.done $0x0  }
0x7b: {  	[sflag:s24] =	ssyncadd.s32 $0xFFFFC180  }
0x7c: {  	[spmem:s10] =	stream.linear.scatter [tilespmem:s25], [sflag:$0x1], $0x3E80, $0x38;
	[tilespmem:$0x1A080] =	vst v63  }
0x7d: {  	_ =	swait.ge [sflag:s24], $0x3E80  }
0x7e: {  	[sflag:s24] =	ssyncset.done $0x0  }
0x7f: {  	[sflag:s24] =	ssyncadd.s32 $0xFFFFC180  }
0x80: {  	[spmem:s11] =	stream.linear.scatter [tilespmem:s25], [sflag:$0x1], $0x3E80, $0x38;
	[tilespmem:$0x1A080] =	vst v63  }
0x81: {  	_ =	swait.ge [sflag:s24], $0x3E80  }
0x82: {  	[sflag:s24] =	ssyncset.done $0x0  }
0x83: {  	[sflag:s24] =	ssyncadd.s32 $0xFFFFC180  }
0x84: {  	[bflag:$0x0] =	sbarrier.arrive $0xFFFF  }
0x85: {  	[tilespmem:s25], [sflag:$0x1] =	stream.linear.gather [hbm4b:s5+s29], $0x3E80, $0x38;
	[tilespmem:$0x1A080] =	vst v63  }
0x86: {  	_ =	swait.ge [sflag:s24], $0x3E80  }
0x87: {  	[sflag:s24] =	ssyncset.done $0x0  }
0x88: {  	s29 =	simm.s32 $0x0;
	[sflag:s24] =	ssyncadd.s32 $0xFFFFC180  }
0x89: {  	[spmem:s3] =	stream.indirect.scatter.add.f32 [tilespmem:s25], [sflag:$0x1], $0x80, s29, s26, $0xb8;
	[tilespmem:$0x1A080] =	vst v63  }
0x8a: {  	_ =	swait.ge [sflag:s24], $0x3E80  }
0x8b: {  	s29 =	simm.s32 $0x200;
	[sflag:s24] =	ssyncset.done $0x0  }
.LBB2_4:
0x8c: {  	s30 =	sshra.s32 s29, $0x2;
	[sflag:s24] =	ssyncadd.s32 $0xFFFFC180;
	p0 =	sne.s32 s29, $0x9E00  }
0x8d: {  	[spmem:s3] =	stream.indirect.scatter.add.f32 [tilespmem:s25], [sflag:$0x1], $0x80, s30, s26, $0xb8;
	[tilespmem:$0x1A080] =	vst v63  }
.Ltmp1:
0x8e: {  	_ = 	snop;
	(pc) =	sbr.rel @p0 .LBB2_4-.Ltmp1, $4  }
0x8f: {  	_ = 	snop  }
0x90: {  	s29 =	sadd.s32 $0x200, s29  }
0x91: {  	_ =	swait.ge [sflag:s24], $0x3E80  }
0x92: {  	[sflag:s24] =	ssyncset.done $0x0  }
0x93: {  	[sflag:s24] =	ssyncadd.s32 $0xFFFFC180  }
0x94: {  	[bflag:$0x0] =	sbarrier.arrive $0xFFFF  }
0x95: {  	[tilespmem:s25], [sflag:$0x1] =	stream.linear.gather [spmem:s7], $0x3E80, $0x38;
	[tilespmem:$0x1A080] =	vst v63  }
0x96: {  	_ =	swait.ge [sflag:s24], $0x3E80  }
0x97: {  	[sflag:s24] =	ssyncset.done $0x0  }
0x98: {  	[sflag:s24] =	ssyncadd.s32 $0xFFFFC180  }
0x99: {  	[hbm4b:s17+s4] =	stream.linear.scatter [tilespmem:s25], [sflag:$0x1], $0x3E80, $0x38;
	[tilespmem:$0x1A080] =	vst v63  }
0x9a: {  	_ =	swait.ge [sflag:s24], $0x3E80  }
0x9b: {  	[sflag:s24] =	ssyncset.done $0x0  }
0x9c: {  	[sflag:s24] =	ssyncadd.s32 $0xFFFFC180  }
0x9d: {  	[tilespmem:s25], [sflag:$0x1] =	stream.linear.gather [spmem:s8], $0x3E80, $0x38;
	[tilespmem:$0x1A080] =	vst v63  }
0x9e: {  	_ =	swait.ge [sflag:s24], $0x3E80  }
0x9f: {  	[sflag:s24] =	ssyncset.done $0x0  }
0xa0: {  	[sflag:s24] =	ssyncadd.s32 $0xFFFFC180  }
0xa1: {  	[hbm4b:s18+s4] =	stream.linear.scatter [tilespmem:s25], [sflag:$0x1], $0x3E80, $0x38;
	[tilespmem:$0x1A080] =	vst v63  }
0xa2: {  	_ =	swait.ge [sflag:s24], $0x3E80  }
0xa3: {  	[sflag:s24] =	ssyncset.done $0x0  }
0xa4: {  	[sflag:s24] =	ssyncadd.s32 $0xFFFFC180  }
0xa5: {  	[tilespmem:s25], [sflag:$0x1] =	stream.linear.gather [spmem:s9], $0x3E80, $0x38;
	[tilespmem:$0x1A080] =	vst v63  }
0xa6: {  	_ =	swait.ge [sflag:s24], $0x3E80  }
0xa7: {  	[sflag:s24] =	ssyncset.done $0x0  }
0xa8: {  	[sflag:s24] =	ssyncadd.s32 $0xFFFFC180  }
0xa9: {  	[hbm4b:s19+s4] =	stream.linear.scatter [tilespmem:s25], [sflag:$0x1], $0x3E80, $0x38;
	[tilespmem:$0x1A080] =	vst v63  }
0xaa: {  	_ =	swait.ge [sflag:s24], $0x3E80  }
0xab: {  	[sflag:s24] =	ssyncset.done $0x0  }
0xac: {  	[sflag:s24] =	ssyncadd.s32 $0xFFFFC180  }
0xad: {  	[tilespmem:s25], [sflag:$0x1] =	stream.linear.gather [spmem:s10], $0x3E80, $0x38;
	[tilespmem:$0x1A080] =	vst v63  }
0xae: {  	_ =	swait.ge [sflag:s24], $0x3E80  }
0xaf: {  	[sflag:s24] =	ssyncset.done $0x0  }
0xb0: {  	[sflag:s24] =	ssyncadd.s32 $0xFFFFC180  }
0xb1: {  	[hbm4b:s20+s4] =	stream.linear.scatter [tilespmem:s25], [sflag:$0x1], $0x3E80, $0x38;
	[tilespmem:$0x1A080] =	vst v63  }
0xb2: {  	_ =	swait.ge [sflag:s24], $0x3E80  }
0xb3: {  	[sflag:s24] =	ssyncset.done $0x0  }
0xb4: {  	[sflag:s24] =	ssyncadd.s32 $0xFFFFC180  }
0xb5: {  	[tilespmem:s25], [sflag:$0x1] =	stream.linear.gather [spmem:s11], $0x3E80, $0x38;
	[tilespmem:$0x1A080] =	vst v63  }
0xb6: {  	s28 =	sadd.s32 $0x1, s28;
	_ =	swait.ge [sflag:s24], $0x3E80  }
0xb7: {  	p0 =	sne.s32 s28, s22;
	[sflag:s24] =	ssyncset.done $0x0  }
.Ltmp2:
0xb8: {  	[sflag:s24] =	ssyncadd.s32 $0xFFFFC180;
	(pc) =	sbr.rel @p0 .LBB2_1-.Ltmp2, $4  }
0xb9: {  	[hbm4b:s21+s4] =	stream.linear.scatter [tilespmem:s25], [sflag:$0x1], $0x3E80, $0x38;
	[tilespmem:$0x1A080] =	vst v63  }
0xba: {  	_ =	swait.ge [sflag:s24], $0x3E80  }
0xbb: {  	[sflag:s24] =	ssyncset.done $0x0  }
0xbc: {  	[sflag:s24] =	ssyncadd.s32 $0xFFFFC180  }
0xbd: {  	_ =	sfence.sel $0x180000  }
0xbe: {  	[bflag:$0x0] =	sbarrier.arrive $0xFFFF  }
0xbf: {  	p0 =	sne.s32 s2, $0x0;
	_ =	strace $0x9000004A  }
0xc0: {  	s0 =	sadd.s32 @!p0 $0x100000, s0;
	[bflag:$0x2] =	sbarrier.arrive $0xFFFF  }
0xc1: {  	[sflag:s0] =	ssyncadd.tile.s32 @!p0 $0x1;
	_ =	shalt  }
.Lfunc_end2:
_tile_overlayer_lowered:
.L_overlay_start_2:
0xc2: {  	(tag) =	ssettag $0x2  }
0xc3: {  	s0 =	rddreg [dreg:$0x0];
	s2 =	stileid.u32  }
0xc4: {  	s1 =	rddreg [dreg:$0x1];
	p0 =	sne.s32 s2, $0x0  }
0xc5: {  	s3 =	rddreg [dreg:$0x2];
	[bflag:$0x3] =	sbarrier.arrive $0xFFFF;
	s2 =	simm.s32 @!p0 $0x1C01  }
0xc6: {  	[timem:s3], [sflag:s2] =	dma.local @!p0 [hbm:s0], s1  }
0xc7: {  	s0 =	simm.s32 @!p0 $0x1  }
0xc8: {  	_ =	swait.ge @!p0 [sflag:s0], s1  }
0xc9: {  	s1 =	ssub.s32 @!p0 $0x0, s1;
	[sflag:s0] =	ssyncset.done @!p0 $0x0  }
0xca: {  	[sflag:s0] =	ssyncadd.s32 @!p0 s1  }
0xcb: {  	[bflag:$0x3] =	sbarrier.arrive $0xFFFF  }
0xcc: {  	_ =	shalt  }

</sc_bundles>
